<compile_context>
chip_gen: v7x
topology: tpu7x:2x2x1
jax: 0.10.2.dev20260603
libtpu: 0.0.44.dev20260713+nightly
codegen_flags: <defaults>
</compile_context>

<pallas_src>
import functools

import jax
import jax.numpy as jnp
from jax import lax
from jax.experimental import pallas as pl
from jax.experimental.pallas import tpu as pltpu
from jax.experimental.pallas import tpu_sc as plsc

N = 10000
E = 320000
F = 128
H = 3
C = 16

NC = 2
NS = 16
NW = NC * NS

K = 128
NBUF = 2
_CH = (E + NW * K - 1) // (NW * K)
NCHUNK = ((_CH + NBUF - 1) // NBUF) * NBUF
EPT = NCHUNK * K
EP = EPT * NW

NACC = 10240
RT = NACC // NS
D = 8
NVEC = RT * D // 16

RB = 1000
RE = 1000


def _pre_body(x_ref, w_ref, b_ref, o_ref):
    o_ref[...] = (
        jnp.dot(x_ref[...], w_ref[...], preferred_element_type=jnp.float32)
        + b_ref[...]
    )


_pre_call = pl.pallas_call(
    _pre_body,
    grid=(N // RB,),
    in_specs=[
        pl.BlockSpec((RB, F), lambda i: (i, 0)),
        pl.BlockSpec((F, D), lambda i: (0, 0)),
        pl.BlockSpec((1, D), lambda i: (0, 0)),
    ],
    out_specs=pl.BlockSpec((RB, D), lambda i: (i, 0)),
    out_shape=jax.ShapeDtypeStruct((N, D), jnp.float32),
)


def _sc_body(pre_hbm, ei_hbm, zeros_hbm, out_hbm,
             src_v, dst_v, rows_v, red_v, tmp_v, acc_sh,
             zsem, isem, gsems, rsems):
    c = lax.axis_index("c")
    s = lax.axis_index("s")
    wid = c * NS + s

    zcp = pltpu.async_copy(zeros_hbm, acc_sh.at[s], zsem)
    pltpu.async_copy(ei_hbm.at[0, wid], src_v, isem).wait()
    pltpu.async_copy(ei_hbm.at[1, wid], dst_v, isem).wait()

    gathers = [
        pltpu.async_copy(pre_hbm.at[src_v.at[b]], rows_v.at[b], gsems[b])
        for b in range(NBUF)
    ]
    zcp.wait()

    @pl.loop(0, NCHUNK, step=NBUF)
    def _(g):
        for b in range(NBUF):
            gathers[b].wait()
            pltpu.sync_copy(rows_v.at[b], acc_sh.at[s].at[dst_v.at[g + b]],
                            add=True)

            @pl.when(g + NBUF + b < NCHUNK)
            def _():
                pltpu.async_copy(pre_hbm.at[src_v.at[g + NBUF + b]],
                                 rows_v.at[b], gsems[b])

    plsc.subcore_barrier()

    iot = lax.iota(jnp.int32, 16)
    rhalf = iot >> 3
    cmask = iot & 7
    stripe = pl.ds(s * RT, RT)

    pltpu.sync_copy(acc_sh.at[0].at[stripe], red_v)

    def start(r, b):
        return pltpu.async_copy(acc_sh.at[r].at[stripe], tmp_v.at[b],
                                rsems[b])

    cps = [start(1, 0), start(2, 1)]

    def accum(b):
        cps[b].wait()

        @pl.loop(0, NVEC, unroll=4)
        def _(j):
            row = j * 2 + rhalf
            g_t = plsc.load_gather(tmp_v.at[b], [row, cmask])
            g_r = plsc.load_gather(red_v, [row, cmask])
            plsc.store_scatter(red_v, [row, cmask], g_r + g_t)

    @pl.loop(0, (NS - 2) // 2)
    def _(k):
        accum(0)
        start(2 * k + 3, 0)
        accum(1)

        @pl.when(k < (NS - 2) // 2 - 1)
        def _():
            start(2 * k + 4, 1)

    accum(0)

    pltpu.sync_copy(red_v, out_hbm.at[c].at[stripe])


_sc_call = functools.partial(
    pl.kernel,
    out_type=jax.ShapeDtypeStruct((NC, NACC, D), jnp.float32),
    mesh=plsc.VectorSubcoreMesh(core_axis_name="c", subcore_axis_name="s"),
    scratch_types=[
        pltpu.VMEM((NCHUNK, K), jnp.int32),
        pltpu.VMEM((NCHUNK, K), jnp.int32),
        pltpu.VMEM((NBUF, K, D), jnp.float32),
        pltpu.VMEM((RT, D), jnp.float32),
        pltpu.VMEM((NBUF, RT, D), jnp.float32),
        pltpu.VMEM_SHARED((NS, NACC, D), jnp.float32),
        pltpu.SemaphoreType.DMA,
        pltpu.SemaphoreType.DMA,
        [pltpu.SemaphoreType.DMA] * NBUF,
        [pltpu.SemaphoreType.DMA] * NBUF,
    ],
    compiler_params=pltpu.CompilerParams(use_tc_tiling_on_sc=False,
                                         needs_layout_passes=False),
)(_sc_body)


def _epi_body(acc_ref, pre_ref, w_ref, b_ref, h_ref, z_ref):
    acc = acc_ref[0] + acc_ref[1]
    ssum = acc[:, 0:3]
    cnt = acc[:, 3:4]
    mean = ssum / jnp.maximum(cnt, 1.0)
    out = pre_ref[:, 4:7] + mean
    h = jnp.maximum(out, 0.0)
    z = jnp.dot(h, w_ref[...], preferred_element_type=jnp.float32) + b_ref[...]
    h_ref[...] = h
    z_ref[...] = z


_epi_call = pl.pallas_call(
    _epi_body,
    grid=(N // RE,),
    in_specs=[
        pl.BlockSpec((NC, RE, D), lambda i: (0, i, 0)),
        pl.BlockSpec((RE, D), lambda i: (i, 0)),
        pl.BlockSpec((H, C), lambda i: (0, 0)),
        pl.BlockSpec((1, C), lambda i: (0, 0)),
    ],
    out_specs=[
        pl.BlockSpec((RE, H), lambda i: (i, 0)),
        pl.BlockSpec((RE, C), lambda i: (i, 0)),
    ],
    out_shape=[
        jax.ShapeDtypeStruct((N, H), jnp.float32),
        jax.ShapeDtypeStruct((N, C), jnp.float32),
    ],
)


def kernel(x, edge_index, edge_attr, W_rel, W_root, b, W_out, b_out):
    del edge_attr

    pad_blk = jnp.concatenate(
        [jnp.zeros((1, EP - E), jnp.int32), jnp.full((1, EP - E), N, jnp.int32)]
    )
    ei_p = jnp.concatenate([edge_index, pad_blk], axis=1).reshape(
        2, NW, NCHUNK, K)

    w_cat = jnp.concatenate(
        [
            W_rel[0],
            jnp.zeros((F, 1), jnp.float32),
            W_root,
            jnp.zeros((F, 1), jnp.float32),
        ],
        axis=1,
    )
    b_cat = jnp.concatenate(
        [jnp.zeros((3,), jnp.float32), jnp.ones((1,), jnp.float32), b,
         jnp.zeros((1,), jnp.float32)]
    ).reshape(1, D)

    pre = _pre_call(x, w_cat, b_cat)

    zeros = jnp.zeros((NACC, D), jnp.float32)
    accs = _sc_call(pre, ei_p, zeros)

    h, z = _epi_call(accs, pre, W_out, b_out.reshape(1, C))
    return (h, z)

# --- scband reference (transcript-rebuilt; emitter-appended) ---
"""Pipeline reference for scband-gcn-7980049236590 (READ-ONLY COPY).

The authoritative reference and input builder live on the scoring server;
editing this copy changes nothing except your own understanding.
"""

import jax, jax.numpy as jnp
import numpy as np

N = 10000
E = 320000
F = 128
H = 3
C = 16
NUM_REL = 1

def setup_inputs(seed: int = 0) -> dict:
    key = jax.random.key(seed)
    ks = jax.random.split(key, 8)
    x = jax.random.normal(ks[0], (N, F), dtype=jnp.float32)
    edge_index = jax.random.randint(ks[1], (2, E), 0, N, dtype=jnp.int32)
    edge_attr = jnp.zeros((E,), dtype=jnp.int32)  # edge_type, all relation 0 (num_relations=1)
    W_rel = jax.random.normal(ks[2], (NUM_REL, F, H), dtype=jnp.float32) * 0.1
    W_root = jax.random.normal(ks[3], (F, H), dtype=jnp.float32) * 0.1
    b = jnp.zeros((H,), dtype=jnp.float32)
    W_out = jax.random.normal(ks[4], (H, C), dtype=jnp.float32) * 0.1
    b_out = jnp.zeros((C,), dtype=jnp.float32)
    return {"x": x, "edge_index": edge_index, "edge_attr": edge_attr,
            "W_rel": W_rel, "W_root": W_root, "b": b,
            "W_out": W_out, "b_out": b_out}

def reference(x, edge_index, edge_attr, W_rel, W_root, b, W_out, b_out):
    # RGCNConv (num_relations=1, aggr='mean'):
    #   out = x @ W_root + b + sum_r mean_{j in N_r(i)} x_j @ W_rel[r]
    src = edge_index[0]
    dst = edge_index[1]
    out = x @ W_root + b
    for r in range(NUM_REL):
        mask = (edge_attr == r).astype(jnp.float32)[:, None]
        msgs = x[src] * mask                               # gather (SparseCore)
        s = jax.ops.segment_sum(msgs, dst, num_segments=N)  # scatter-add
        cnt = jax.ops.segment_sum(mask, dst, num_segments=N)
        mean = s / jnp.clip(cnt, 1.0, None)
        out = out + mean @ W_rel[r]
    h = jax.nn.relu(out)
    z = h @ W_out + b_out
    return (h, z)

if __name__ == "__main__":
    import jax
    _d = setup_inputs()
    print(jax.jit(kernel)(*tuple(_d.values())))

</pallas_src>

<mosaic_0001>
#map = affine_map<(d0, d1) -> (0, 0)>
#map1 = affine_map<(d0, d1) -> (0, 0, 0, 0)>
#map2 = affine_map<(d0, d1) -> (0, 0, 0)>
module attributes {stable_mosaic.version = 14 : i64} {
  func.func @_sc_body(%arg0: i32, %arg1: i32, %arg2: memref<10000x8xf32, #tpu.memory_space<hbm>>, %arg3: memref<2x32x80x128xi32, #tpu.memory_space<hbm>>, %arg4: memref<10240x8xf32, #tpu.memory_space<hbm>>, %arg5: memref<2x10240x8xf32, #tpu.memory_space<hbm>>, %arg6: memref<80x128xi32, #tpu.memory_space<vmem>>, %arg7: memref<80x128xi32, #tpu.memory_space<vmem>>, %arg8: memref<2x128x8xf32, #tpu.memory_space<vmem>>, %arg9: memref<640x8xf32, #tpu.memory_space<vmem>>, %arg10: memref<2x640x8xf32, #tpu.memory_space<vmem>>, %arg11: memref<16x10240x8xf32, #tpu.memory_space<vmem_shared>>, %arg12: memref<!tpu.dma_semaphore, #tpu.memory_space<semaphore_mem>>, %arg13: memref<!tpu.dma_semaphore, #tpu.memory_space<semaphore_mem>>, %arg14: memref<!tpu.dma_semaphore, #tpu.memory_space<semaphore_mem>>, %arg15: memref<!tpu.dma_semaphore, #tpu.memory_space<semaphore_mem>>, %arg16: memref<!tpu.dma_semaphore, #tpu.memory_space<semaphore_mem>>, %arg17: memref<!tpu.dma_semaphore, #tpu.memory_space<semaphore_mem>>) attributes {dimension_semantics = [#tpu.dimension_semantics<core_parallel>, #tpu.dimension_semantics<subcore_parallel>], iteration_bounds = array<i64: 2, 16>, scalar_prefetch = 0 : i64, scratch_operands = 12 : i64, tpu.core_type = #tpu.core_type<sc_vector_subcore>, window_params = [{transform_indices = #map}, {transform_indices = #map1}, {transform_indices = #map}, {transform_indices = #map2}]} {
    %mul3A = arith.constant 16 : i32
    %mul3A_0 = arith.muli %arg0, %mul3A : i32
    %add3A = arith.addi %mul3A_0, %arg1 : i32
    %dma_start3A = arith.constant 0 : i32
    %dma_start3A_1 = arith.constant 0 : i32
    %dma_start3A_2 = tpu.memref_slice %arg11[%arg1, %dma_start3A, %dma_start3A_1] : memref<16x10240x8xf32, #tpu.memory_space<vmem_shared>> -> memref<1x10240x8xf32, #tpu.memory_space<vmem_shared>>
    %dma_start3A_3 = tpu.memref_squeeze %dma_start3A_2 : memref<1x10240x8xf32, #tpu.memory_space<vmem_shared>> -> memref<10240x8xf32, #tpu.memory_space<vmem_shared>>
    tpu.enqueue_dma source(%arg4 : memref<10240x8xf32, #tpu.memory_space<hbm>>) target(%dma_start3A_3 : memref<10240x8xf32, #tpu.memory_space<vmem_shared>>) target_semaphore(%arg12 : memref<!tpu.dma_semaphore, #tpu.memory_space<semaphore_mem>>)
    %dma_start3A_4 = arith.constant 0 : i32
    %dma_start3A_5 = arith.constant 0 : i32
    %dma_start3A_6 = arith.constant 0 : i32
    %dma_start3A_7 = tpu.memref_slice %arg3[%dma_start3A_4, %add3A, %dma_start3A_5, %dma_start3A_6] : memref<2x32x80x128xi32, #tpu.memory_space<hbm>> -> memref<1x1x80x128xi32, #tpu.memory_space<hbm>>
    %dma_start3A_8 = tpu.memref_squeeze %dma_start3A_7 : memref<1x1x80x128xi32, #tpu.memory_space<hbm>> -> memref<80x128xi32, #tpu.memory_space<hbm>>
    %dma_start3A_9 = arith.constant 0 : i32
    %dma_start3A_10 = arith.constant 0 : i32
    %dma_start3A_11 = tpu.memref_slice %arg3[%dma_start3A_4, %add3A, %dma_start3A_9, %dma_start3A_10] : memref<2x32x80x128xi32, #tpu.memory_space<hbm>> -> memref<1x1x80x128xi32, #tpu.memory_space<hbm>>
    %dma_start3A_12 = tpu.memref_squeeze %dma_start3A_11 : memref<1x1x80x128xi32, #tpu.memory_space<hbm>> -> memref<80x128xi32, #tpu.memory_space<hbm>>
    tpu.enqueue_dma source(%dma_start3A_12 : memref<80x128xi32, #tpu.memory_space<hbm>>) target(%arg6 : memref<80x128xi32, #tpu.memory_space<vmem>>) target_semaphore(%arg13 : memref<!tpu.dma_semaphore, #tpu.memory_space<semaphore_mem>>)
    %dma_wait3A = arith.constant 0 : i32
    %dma_wait3A_13 = arith.constant 0 : i32
    %dma_wait3A_14 = arith.constant 0 : i32
    %dma_wait3A_15 = tpu.memref_slice %arg3[%dma_wait3A, %add3A, %dma_wait3A_13, %dma_wait3A_14] : memref<2x32x80x128xi32, #tpu.memory_space<hbm>> -> memref<1x1x80x128xi32, #tpu.memory_space<hbm>>
    %dma_wait3A_16 = tpu.memref_squeeze %dma_wait3A_15 : memref<1x1x80x128xi32, #tpu.memory_space<hbm>> -> memref<80x128xi32, #tpu.memory_space<hbm>>
    %dma_wait3A_17 = arith.constant 0 : i32
    %dma_wait3A_18 = arith.constant 0 : i32
    %dma_wait3A_19 = tpu.memref_slice %arg3[%dma_wait3A, %add3A, %dma_wait3A_17, %dma_wait3A_18] : memref<2x32x80x128xi32, #tpu.memory_space<hbm>> -> memref<1x1x80x128xi32, #tpu.memory_space<hbm>>
    %dma_wait3A_20 = tpu.memref_squeeze %dma_wait3A_19 : memref<1x1x80x128xi32, #tpu.memory_space<hbm>> -> memref<80x128xi32, #tpu.memory_space<hbm>>
    tpu.wait_dma2 semaphore(%arg13 : memref<!tpu.dma_semaphore, #tpu.memory_space<semaphore_mem>>) src(%dma_wait3A_20 : memref<80x128xi32, #tpu.memory_space<hbm>>) dst(%arg6 : memref<80x128xi32, #tpu.memory_space<vmem>>)
    %dma_start3A_21 = arith.constant 1 : i32
    %dma_start3A_22 = arith.constant 0 : i32
    %dma_start3A_23 = arith.constant 0 : i32
    %dma_start3A_24 = tpu.memref_slice %arg3[%dma_start3A_21, %add3A, %dma_start3A_22, %dma_start3A_23] : memref<2x32x80x128xi32, #tpu.memory_space<hbm>> -> memref<1x1x80x128xi32, #tpu.memory_space<hbm>>
    %dma_start3A_25 = tpu.memref_squeeze %dma_start3A_24 : memref<1x1x80x128xi32, #tpu.memory_space<hbm>> -> memref<80x128xi32, #tpu.memory_space<hbm>>
    %dma_start3A_26 = arith.constant 0 : i32
    %dma_start3A_27 = arith.constant 0 : i32
    %dma_start3A_28 = tpu.memref_slice %arg3[%dma_start3A_21, %add3A, %dma_start3A_26, %dma_start3A_27] : memref<2x32x80x128xi32, #tpu.memory_space<hbm>> -> memref<1x1x80x128xi32, #tpu.memory_space<hbm>>
    %dma_start3A_29 = tpu.memref_squeeze %dma_start3A_28 : memref<1x1x80x128xi32, #tpu.memory_space<hbm>> -> memref<80x128xi32, #tpu.memory_space<hbm>>
    tpu.enqueue_dma source(%dma_start3A_29 : memref<80x128xi32, #tpu.memory_space<hbm>>) target(%arg7 : memref<80x128xi32, #tpu.memory_space<vmem>>) target_semaphore(%arg13 : memref<!tpu.dma_semaphore, #tpu.memory_space<semaphore_mem>>)
    %dma_wait3A_30 = arith.constant 1 : i32
    %dma_wait3A_31 = arith.constant 0 : i32
    %dma_wait3A_32 = arith.constant 0 : i32
    %dma_wait3A_33 = tpu.memref_slice %arg3[%dma_wait3A_30, %add3A, %dma_wait3A_31, %dma_wait3A_32] : memref<2x32x80x128xi32, #tpu.memory_space<hbm>> -> memref<1x1x80x128xi32, #tpu.memory_space<hbm>>
    %dma_wait3A_34 = tpu.memref_squeeze %dma_wait3A_33 : memref<1x1x80x128xi32, #tpu.memory_space<hbm>> -> memref<80x128xi32, #tpu.memory_space<hbm>>
    %dma_wait3A_35 = arith.constant 0 : i32
    %dma_wait3A_36 = arith.constant 0 : i32
    %dma_wait3A_37 = tpu.memref_slice %arg3[%dma_wait3A_30, %add3A, %dma_wait3A_35, %dma_wait3A_36] : memref<2x32x80x128xi32, #tpu.memory_space<hbm>> -> memref<1x1x80x128xi32, #tpu.memory_space<hbm>>
    %dma_wait3A_38 = tpu.memref_squeeze %dma_wait3A_37 : memref<1x1x80x128xi32, #tpu.memory_space<hbm>> -> memref<80x128xi32, #tpu.memory_space<hbm>>
    tpu.wait_dma2 semaphore(%arg13 : memref<!tpu.dma_semaphore, #tpu.memory_space<semaphore_mem>>) src(%dma_wait3A_38 : memref<80x128xi32, #tpu.memory_space<hbm>>) dst(%arg7 : memref<80x128xi32, #tpu.memory_space<vmem>>)
    %dma_start3A_39 = arith.constant 0 : i32
    %dma_start3A_40 = arith.constant 0 : i32
    %dma_start3A_41 = arith.constant 0 : i32
    %dma_start3A_42 = arith.constant 0 : i32
    %dma_start3A_43 = tpu.memref_slice %arg8[%dma_start3A_40, %dma_start3A_41, %dma_start3A_42] : memref<2x128x8xf32, #tpu.memory_space<vmem>> -> memref<1x128x8xf32, #tpu.memory_space<vmem>>
    %dma_start3A_44 = tpu.memref_squeeze %dma_start3A_43 : memref<1x128x8xf32, #tpu.memory_space<vmem>> -> memref<128x8xf32, #tpu.memory_space<vmem>>
    %dma_start3A_45 = arith.constant 0 : i32
    %dma_start3A_46 = tpu.memref_slice %arg6[%dma_start3A_39, %dma_start3A_45] : memref<80x128xi32, #tpu.memory_space<vmem>> -> memref<1x128xi32, #tpu.memory_space<vmem>>
    %dma_start3A_47 = tpu.memref_squeeze %dma_start3A_46 : memref<1x128xi32, #tpu.memory_space<vmem>> -> memref<128xi32, #tpu.memory_space<vmem>>
    %dma_start3A_48 = arith.constant 0 : i32
    %dma_start3A_49 = arith.constant 0 : i32
    %dma_start3A_50 = tpu.memref_slice %arg2[%dma_start3A_48, %dma_start3A_49] : memref<10000x8xf32, #tpu.memory_space<hbm>> -> memref<10000x8xf32, #tpu.memory_space<hbm>>
    tpu.enqueue_indirect_dma source(%dma_start3A_50 : memref<10000x8xf32, #tpu.memory_space<hbm>>) target(%dma_start3A_44 : memref<128x8xf32, #tpu.memory_space<vmem>>) offsets(%dma_start3A_47 : memref<128xi32, #tpu.memory_space<vmem>>) semaphore(%arg14 : memref<!tpu.dma_semaphore, #tpu.memory_space<semaphore_mem>>)
    %dma_start3A_51 = arith.constant 1 : i32
    %dma_start3A_52 = arith.constant 1 : i32
    %dma_start3A_53 = arith.constant 0 : i32
    %dma_start3A_54 = arith.constant 0 : i32
    %dma_start3A_55 = tpu.memref_slice %arg8[%dma_start3A_52, %dma_start3A_53, %dma_start3A_54] : memref<2x128x8xf32, #tpu.memory_space<vmem>> -> memref<1x128x8xf32, #tpu.memory_space<vmem>>
    %dma_start3A_56 = tpu.memref_squeeze %dma_start3A_55 : memref<1x128x8xf32, #tpu.memory_space<vmem>> -> memref<128x8xf32, #tpu.memory_space<vmem>>
    %dma_start3A_57 = arith.constant 0 : i32
    %dma_start3A_58 = tpu.memref_slice %arg6[%dma_start3A_51, %dma_start3A_57] : memref<80x128xi32, #tpu.memory_space<vmem>> -> memref<1x128xi32, #tpu.memory_space<vmem>>
    %dma_start3A_59 = tpu.memref_squeeze %dma_start3A_58 : memref<1x128xi32, #tpu.memory_space<vmem>> -> memref<128xi32, #tpu.memory_space<vmem>>
    %dma_start3A_60 = arith.constant 0 : i32
    %dma_start3A_61 = arith.constant 0 : i32
    %dma_start3A_62 = tpu.memref_slice %arg2[%dma_start3A_60, %dma_start3A_61] : memref<10000x8xf32, #tpu.memory_space<hbm>> -> memref<10000x8xf32, #tpu.memory_space<hbm>>
    tpu.enqueue_indirect_dma source(%dma_start3A_62 : memref<10000x8xf32, #tpu.memory_space<hbm>>) target(%dma_start3A_56 : memref<128x8xf32, #tpu.memory_space<vmem>>) offsets(%dma_start3A_59 : memref<128xi32, #tpu.memory_space<vmem>>) semaphore(%arg15 : memref<!tpu.dma_semaphore, #tpu.memory_space<semaphore_mem>>)
    %dma_wait3A_63 = arith.constant 0 : i32
    %dma_wait3A_64 = arith.constant 0 : i32
    %dma_wait3A_65 = tpu.memref_slice %arg11[%arg1, %dma_wait3A_63, %dma_wait3A_64] : memref<16x10240x8xf32, #tpu.memory_space<vmem_shared>> -> memref<1x10240x8xf32, #tpu.memory_space<vmem_shared>>
    %dma_wait3A_66 = tpu.memref_squeeze %dma_wait3A_65 : memref<1x10240x8xf32, #tpu.memory_space<vmem_shared>> -> memref<10240x8xf32, #tpu.memory_space<vmem_shared>>
    tpu.wait_dma2 semaphore(%arg12 : memref<!tpu.dma_semaphore, #tpu.memory_space<semaphore_mem>>) src(%arg4 : memref<10240x8xf32, #tpu.memory_space<hbm>>) dst(%dma_wait3A_66 : memref<10240x8xf32, #tpu.memory_space<vmem_shared>>)
    %scan3A = arith.constant 0 : i32
    %scan3A_67 = arith.constant 0 : i32
    %scan3A_68 = arith.constant 1 : i32
    %scan3A_69 = arith.constant 1 : i32
    %scan3A_70 = arith.constant 0 : i32
    %scan3A_71 = arith.constant 40 : i32
    %scan3A_72 = arith.addi %scan3A_70, %scan3A_71 : i32
    %scan3A_73 = arith.constant 1 : i32
    scf.for %scan3A_161 = %scan3A_70 to %scan3A_72 step %scan3A_73  : i32 {
      %mul3A_162 = arith.constant 2 : i32
      %mul3A_163 = arith.muli %scan3A_161, %mul3A_162 : i32
      %add3A_164 = arith.constant 0 : i32
      %add3A_165 = arith.addi %add3A_164, %mul3A_163 : i32
      %dma_wait3A_166 = arith.constant 0 : i32
      %dma_wait3A_167 = arith.constant 0 : i32
      %dma_wait3A_168 = tpu.memref_slice %arg8[%scan3A_67, %dma_wait3A_166, %dma_wait3A_167] : memref<2x128x8xf32, #tpu.memory_space<vmem>> -> memref<1x128x8xf32, #tpu.memory_space<vmem>>
      %dma_wait3A_169 = tpu.memref_squeeze %dma_wait3A_168 : memref<1x128x8xf32, #tpu.memory_space<vmem>> -> memref<128x8xf32, #tpu.memory_space<vmem>>
      %dma_wait3A_170 = arith.constant 0 : i32
      %dma_wait3A_171 = tpu.memref_slice %arg6[%scan3A, %dma_wait3A_170] : memref<80x128xi32, #tpu.memory_space<vmem>> -> memref<1x128xi32, #tpu.memory_space<vmem>>
      %dma_wait3A_172 = tpu.memref_squeeze %dma_wait3A_171 : memref<1x128xi32, #tpu.memory_space<vmem>> -> memref<128xi32, #tpu.memory_space<vmem>>
      %dma_wait3A_173 = arith.constant 0 : i32
      %dma_wait3A_174 = arith.constant 0 : i32
      %dma_wait3A_175 = tpu.memref_slice %arg2[%dma_wait3A_173, %dma_wait3A_174] : memref<10000x8xf32, #tpu.memory_space<hbm>> -> memref<10000x8xf32, #tpu.memory_space<hbm>>
      tpu.wait_indirect_dma semaphore(%arg14 : memref<!tpu.dma_semaphore, #tpu.memory_space<semaphore_mem>>) src(%dma_wait3A_175 : memref<10000x8xf32, #tpu.memory_space<hbm>>) dst(%dma_wait3A_169 : memref<128x8xf32, #tpu.memory_space<vmem>>)
      %add3A_176 = arith.constant 0 : i32
      %add3A_177 = arith.addi %add3A_165, %add3A_176 : i32
      %run_scoped3A_178 = arith.constant 0 : i32
      "tpu.region"() ({
        %run_scoped3A_207 = tpu.sem_alloc : memref<!tpu.dma_semaphore, #tpu.memory_space<semaphore_mem>>
        %dma_start3A_208 = arith.constant 0 : i32
        %dma_start3A_209 = arith.constant 0 : i32
        %dma_start3A_210 = tpu.memref_slice %arg8[%run_scoped3A_178, %dma_start3A_208, %dma_start3A_209] : memref<2x128x8xf32, #tpu.memory_space<vmem>> -> memref<1x128x8xf32, #tpu.memory_space<vmem>>
        %dma_start3A_211 = tpu.memref_squeeze %dma_start3A_210 : memref<1x128x8xf32, #tpu.memory_space<vmem>> -> memref<128x8xf32, #tpu.memory_space<vmem>>
        %dma_start3A_212 = arith.constant 0 : i32
        %dma_start3A_213 = tpu.memref_slice %arg7[%add3A_177, %dma_start3A_212] : memref<80x128xi32, #tpu.memory_space<vmem>> -> memref<1x128xi32, #tpu.memory_space<vmem>>
        %dma_start3A_214 = tpu.memref_squeeze %dma_start3A_213 : memref<1x128xi32, #tpu.memory_space<vmem>> -> memref<128xi32, #tpu.memory_space<vmem>>
        %dma_start3A_215 = arith.constant 0 : i32
        %dma_start3A_216 = arith.constant 0 : i32
        %dma_start3A_217 = tpu.memref_slice %arg11[%arg1, %dma_start3A_215, %dma_start3A_216] : memref<16x10240x8xf32, #tpu.memory_space<vmem_shared>> -> memref<1x10240x8xf32, #tpu.memory_space<vmem_shared>>
        %dma_start3A_218 = tpu.memref_squeeze %dma_start3A_217 : memref<1x10240x8xf32, #tpu.memory_space<vmem_shared>> -> memref<10240x8xf32, #tpu.memory_space<vmem_shared>>
        %dma_start3A_219 = arith.constant 0 : i32
        %dma_start3A_220 = arith.constant 0 : i32
        %dma_start3A_221 = tpu.memref_slice %dma_start3A_218[%dma_start3A_219, %dma_start3A_220] : memref<10240x8xf32, #tpu.memory_space<vmem_shared>> -> memref<10240x8xf32, #tpu.memory_space<vmem_shared>>
        tpu.enqueue_indirect_dma source(%dma_start3A_211 : memref<128x8xf32, #tpu.memory_space<vmem>>) target(%dma_start3A_221 : memref<10240x8xf32, #tpu.memory_space<vmem_shared>>) offsets(%dma_start3A_214 : memref<128xi32, #tpu.memory_space<vmem>>) semaphore(%run_scoped3A_207 : memref<!tpu.dma_semaphore, #tpu.memory_space<semaphore_mem>>) {add = true}
        %dma_wait3A_222 = arith.constant 0 : i32
        %dma_wait3A_223 = arith.constant 0 : i32
        %dma_wait3A_224 = tpu.memref_slice %arg8[%run_scoped3A_178, %dma_wait3A_222, %dma_wait3A_223] : memref<2x128x8xf32, #tpu.memory_space<vmem>> -> memref<1x128x8xf32, #tpu.memory_space<vmem>>
        %dma_wait3A_225 = tpu.memref_squeeze %dma_wait3A_224 : memref<1x128x8xf32, #tpu.memory_space<vmem>> -> memref<128x8xf32, #tpu.memory_space<vmem>>
        %dma_wait3A_226 = arith.constant 0 : i32
        %dma_wait3A_227 = tpu.memref_slice %arg7[%add3A_177, %dma_wait3A_226] : memref<80x128xi32, #tpu.memory_space<vmem>> -> memref<1x128xi32, #tpu.memory_space<vmem>>
        %dma_wait3A_228 = tpu.memref_squeeze %dma_wait3A_227 : memref<1x128xi32, #tpu.memory_space<vmem>> -> memref<128xi32, #tpu.memory_space<vmem>>
        %dma_wait3A_229 = arith.constant 0 : i32
        %dma_wait3A_230 = arith.constant 0 : i32
        %dma_wait3A_231 = tpu.memref_slice %arg11[%arg1, %dma_wait3A_229, %dma_wait3A_230] : memref<16x10240x8xf32, #tpu.memory_space<vmem_shared>> -> memref<1x10240x8xf32, #tpu.memory_space<vmem_shared>>
        %dma_wait3A_232 = tpu.memref_squeeze %dma_wait3A_231 : memref<1x10240x8xf32, #tpu.memory_space<vmem_shared>> -> memref<10240x8xf32, #tpu.memory_space<vmem_shared>>
        %dma_wait3A_233 = arith.constant 0 : i32
        %dma_wait3A_234 = arith.constant 0 : i32
        %dma_wait3A_235 = tpu.memref_slice %dma_wait3A_232[%dma_wait3A_233, %dma_wait3A_234] : memref<10240x8xf32, #tpu.memory_space<vmem_shared>> -> memref<10240x8xf32, #tpu.memory_space<vmem_shared>>
        tpu.wait_indirect_dma semaphore(%run_scoped3A_207 : memref<!tpu.dma_semaphore, #tpu.memory_space<semaphore_mem>>) src(%dma_wait3A_225 : memref<128x8xf32, #tpu.memory_space<vmem>>) dst(%dma_wait3A_235 : memref<10240x8xf32, #tpu.memory_space<vmem_shared>>)
        tpu.yield
      }) : () -> ()
      %add3A_179 = arith.constant 2 : i32
      %add3A_180 = arith.addi %add3A_165, %add3A_179 : i32
      %add3A_181 = arith.constant 0 : i32
      %add3A_182 = arith.addi %add3A_180, %add3A_181 : i32
      %lt3A = arith.constant 80 : i32
      %lt3A_183 = arith.cmpi slt, %add3A_182, %lt3A : i32
      %convert_element_type3A = arith.extui %lt3A_183 : i1 to i32
      %cond3A = arith.constant 0 : i32
      %cond3A_184 = arith.cmpi ne, %convert_element_type3A, %cond3A : i32
      scf.if %cond3A_184 {
        %add3A_207 = arith.constant 2 : i32
        %add3A_208 = arith.addi %add3A_165, %add3A_207 : i32
        %add3A_209 = arith.constant 0 : i32
        %add3A_210 = arith.addi %add3A_208, %add3A_209 : i32
        %dma_start3A_211 = arith.constant 0 : i32
        %dma_start3A_212 = arith.constant 0 : i32
        %dma_start3A_213 = arith.constant 0 : i32
        %dma_start3A_214 = tpu.memref_slice %arg8[%dma_start3A_211, %dma_start3A_212, %dma_start3A_213] : memref<2x128x8xf32, #tpu.memory_space<vmem>> -> memref<1x128x8xf32, #tpu.memory_space<vmem>>
        %dma_start3A_215 = tpu.memref_squeeze %dma_start3A_214 : memref<1x128x8xf32, #tpu.memory_space<vmem>> -> memref<128x8xf32, #tpu.memory_space<vmem>>
        %dma_start3A_216 = arith.constant 0 : i32
        %dma_start3A_217 = tpu.memref_slice %arg6[%add3A_210, %dma_start3A_216] : memref<80x128xi32, #tpu.memory_space<vmem>> -> memref<1x128xi32, #tpu.memory_space<vmem>>
        %dma_start3A_218 = tpu.memref_squeeze %dma_start3A_217 : memref<1x128xi32, #tpu.memory_space<vmem>> -> memref<128xi32, #tpu.memory_space<vmem>>
        %dma_start3A_219 = arith.constant 0 : i32
        %dma_start3A_220 = arith.constant 0 : i32
        %dma_start3A_221 = tpu.memref_slice %arg2[%dma_start3A_219, %dma_start3A_220] : memref<10000x8xf32, #tpu.memory_space<hbm>> -> memref<10000x8xf32, #tpu.memory_space<hbm>>
        tpu.enqueue_indirect_dma source(%dma_start3A_221 : memref<10000x8xf32, #tpu.memory_space<hbm>>) target(%dma_start3A_215 : memref<128x8xf32, #tpu.memory_space<vmem>>) offsets(%dma_start3A_218 : memref<128xi32, #tpu.memory_space<vmem>>) semaphore(%arg14 : memref<!tpu.dma_semaphore, #tpu.memory_space<semaphore_mem>>)
      } else {
      }
      %dma_wait3A_185 = arith.constant 0 : i32
      %dma_wait3A_186 = arith.constant 0 : i32
      %dma_wait3A_187 = tpu.memref_slice %arg8[%scan3A_69, %dma_wait3A_185, %dma_wait3A_186] : memref<2x128x8xf32, #tpu.memory_space<vmem>> -> memref<1x128x8xf32, #tpu.memory_space<vmem>>
      %dma_wait3A_188 = tpu.memref_squeeze %dma_wait3A_187 : memref<1x128x8xf32, #tpu.memory_space<vmem>> -> memref<128x8xf32, #tpu.memory_space<vmem>>
      %dma_wait3A_189 = arith.constant 0 : i32
      %dma_wait3A_190 = tpu.memref_slice %arg6[%scan3A_68, %dma_wait3A_189] : memref<80x128xi32, #tpu.memory_space<vmem>> -> memref<1x128xi32, #tpu.memory_space<vmem>>
      %dma_wait3A_191 = tpu.memref_squeeze %dma_wait3A_190 : memref<1x128xi32, #tpu.memory_space<vmem>> -> memref<128xi32, #tpu.memory_space<vmem>>
      %dma_wait3A_192 = arith.constant 0 : i32
      %dma_wait3A_193 = arith.constant 0 : i32
      %dma_wait3A_194 = tpu.memref_slice %arg2[%dma_wait3A_192, %dma_wait3A_193] : memref<10000x8xf32, #tpu.memory_space<hbm>> -> memref<10000x8xf32, #tpu.memory_space<hbm>>
      tpu.wait_indirect_dma semaphore(%arg15 : memref<!tpu.dma_semaphore, #tpu.memory_space<semaphore_mem>>) src(%dma_wait3A_194 : memref<10000x8xf32, #tpu.memory_space<hbm>>) dst(%dma_wait3A_188 : memref<128x8xf32, #tpu.memory_space<vmem>>)
      %add3A_195 = arith.constant 1 : i32
      %add3A_196 = arith.addi %add3A_165, %add3A_195 : i32
      %run_scoped3A_197 = arith.constant 1 : i32
      "tpu.region"() ({
        %run_scoped3A_207 = tpu.sem_alloc : memref<!tpu.dma_semaphore, #tpu.memory_space<semaphore_mem>>
        %dma_start3A_208 = arith.constant 0 : i32
        %dma_start3A_209 = arith.constant 0 : i32
        %dma_start3A_210 = tpu.memref_slice %arg8[%run_scoped3A_197, %dma_start3A_208, %dma_start3A_209] : memref<2x128x8xf32, #tpu.memory_space<vmem>> -> memref<1x128x8xf32, #tpu.memory_space<vmem>>
        %dma_start3A_211 = tpu.memref_squeeze %dma_start3A_210 : memref<1x128x8xf32, #tpu.memory_space<vmem>> -> memref<128x8xf32, #tpu.memory_space<vmem>>
        %dma_start3A_212 = arith.constant 0 : i32
        %dma_start3A_213 = tpu.memref_slice %arg7[%add3A_196, %dma_start3A_212] : memref<80x128xi32, #tpu.memory_space<vmem>> -> memref<1x128xi32, #tpu.memory_space<vmem>>
        %dma_start3A_214 = tpu.memref_squeeze %dma_start3A_213 : memref<1x128xi32, #tpu.memory_space<vmem>> -> memref<128xi32, #tpu.memory_space<vmem>>
        %dma_start3A_215 = arith.constant 0 : i32
        %dma_start3A_216 = arith.constant 0 : i32
        %dma_start3A_217 = tpu.memref_slice %arg11[%arg1, %dma_start3A_215, %dma_start3A_216] : memref<16x10240x8xf32, #tpu.memory_space<vmem_shared>> -> memref<1x10240x8xf32, #tpu.memory_space<vmem_shared>>
        %dma_start3A_218 = tpu.memref_squeeze %dma_start3A_217 : memref<1x10240x8xf32, #tpu.memory_space<vmem_shared>> -> memref<10240x8xf32, #tpu.memory_space<vmem_shared>>
        %dma_start3A_219 = arith.constant 0 : i32
        %dma_start3A_220 = arith.constant 0 : i32
        %dma_start3A_221 = tpu.memref_slice %dma_start3A_218[%dma_start3A_219, %dma_start3A_220] : memref<10240x8xf32, #tpu.memory_space<vmem_shared>> -> memref<10240x8xf32, #tpu.memory_space<vmem_shared>>
        tpu.enqueue_indirect_dma source(%dma_start3A_211 : memref<128x8xf32, #tpu.memory_space<vmem>>) target(%dma_start3A_221 : memref<10240x8xf32, #tpu.memory_space<vmem_shared>>) offsets(%dma_start3A_214 : memref<128xi32, #tpu.memory_space<vmem>>) semaphore(%run_scoped3A_207 : memref<!tpu.dma_semaphore, #tpu.memory_space<semaphore_mem>>) {add = true}
        %dma_wait3A_222 = arith.constant 0 : i32
        %dma_wait3A_223 = arith.constant 0 : i32
        %dma_wait3A_224 = tpu.memref_slice %arg8[%run_scoped3A_197, %dma_wait3A_222, %dma_wait3A_223] : memref<2x128x8xf32, #tpu.memory_space<vmem>> -> memref<1x128x8xf32, #tpu.memory_space<vmem>>
        %dma_wait3A_225 = tpu.memref_squeeze %dma_wait3A_224 : memref<1x128x8xf32, #tpu.memory_space<vmem>> -> memref<128x8xf32, #tpu.memory_space<vmem>>
        %dma_wait3A_226 = arith.constant 0 : i32
        %dma_wait3A_227 = tpu.memref_slice %arg7[%add3A_196, %dma_wait3A_226] : memref<80x128xi32, #tpu.memory_space<vmem>> -> memref<1x128xi32, #tpu.memory_space<vmem>>
        %dma_wait3A_228 = tpu.memref_squeeze %dma_wait3A_227 : memref<1x128xi32, #tpu.memory_space<vmem>> -> memref<128xi32, #tpu.memory_space<vmem>>
        %dma_wait3A_229 = arith.constant 0 : i32
        %dma_wait3A_230 = arith.constant 0 : i32
        %dma_wait3A_231 = tpu.memref_slice %arg11[%arg1, %dma_wait3A_229, %dma_wait3A_230] : memref<16x10240x8xf32, #tpu.memory_space<vmem_shared>> -> memref<1x10240x8xf32, #tpu.memory_space<vmem_shared>>
        %dma_wait3A_232 = tpu.memref_squeeze %dma_wait3A_231 : memref<1x10240x8xf32, #tpu.memory_space<vmem_shared>> -> memref<10240x8xf32, #tpu.memory_space<vmem_shared>>
        %dma_wait3A_233 = arith.constant 0 : i32
        %dma_wait3A_234 = arith.constant 0 : i32
        %dma_wait3A_235 = tpu.memref_slice %dma_wait3A_232[%dma_wait3A_233, %dma_wait3A_234] : memref<10240x8xf32, #tpu.memory_space<vmem_shared>> -> memref<10240x8xf32, #tpu.memory_space<vmem_shared>>
        tpu.wait_indirect_dma semaphore(%run_scoped3A_207 : memref<!tpu.dma_semaphore, #tpu.memory_space<semaphore_mem>>) src(%dma_wait3A_225 : memref<128x8xf32, #tpu.memory_space<vmem>>) dst(%dma_wait3A_235 : memref<10240x8xf32, #tpu.memory_space<vmem_shared>>)
        tpu.yield
      }) : () -> ()
      %add3A_198 = arith.constant 2 : i32
      %add3A_199 = arith.addi %add3A_165, %add3A_198 : i32
      %add3A_200 = arith.constant 1 : i32
      %add3A_201 = arith.addi %add3A_199, %add3A_200 : i32
      %lt3A_202 = arith.constant 80 : i32
      %lt3A_203 = arith.cmpi slt, %add3A_201, %lt3A_202 : i32
      %convert_element_type3A_204 = arith.extui %lt3A_203 : i1 to i32
      %cond3A_205 = arith.constant 0 : i32
      %cond3A_206 = arith.cmpi ne, %convert_element_type3A_204, %cond3A_205 : i32
      scf.if %cond3A_206 {
        %add3A_207 = arith.constant 2 : i32
        %add3A_208 = arith.addi %add3A_165, %add3A_207 : i32
        %add3A_209 = arith.constant 1 : i32
        %add3A_210 = arith.addi %add3A_208, %add3A_209 : i32
        %dma_start3A_211 = arith.constant 1 : i32
        %dma_start3A_212 = arith.constant 0 : i32
        %dma_start3A_213 = arith.constant 0 : i32
        %dma_start3A_214 = tpu.memref_slice %arg8[%dma_start3A_211, %dma_start3A_212, %dma_start3A_213] : memref<2x128x8xf32, #tpu.memory_space<vmem>> -> memref<1x128x8xf32, #tpu.memory_space<vmem>>
        %dma_start3A_215 = tpu.memref_squeeze %dma_start3A_214 : memref<1x128x8xf32, #tpu.memory_space<vmem>> -> memref<128x8xf32, #tpu.memory_space<vmem>>
        %dma_start3A_216 = arith.constant 0 : i32
        %dma_start3A_217 = tpu.memref_slice %arg6[%add3A_210, %dma_start3A_216] : memref<80x128xi32, #tpu.memory_space<vmem>> -> memref<1x128xi32, #tpu.memory_space<vmem>>
        %dma_start3A_218 = tpu.memref_squeeze %dma_start3A_217 : memref<1x128xi32, #tpu.memory_space<vmem>> -> memref<128xi32, #tpu.memory_space<vmem>>
        %dma_start3A_219 = arith.constant 0 : i32
        %dma_start3A_220 = arith.constant 0 : i32
        %dma_start3A_221 = tpu.memref_slice %arg2[%dma_start3A_219, %dma_start3A_220] : memref<10000x8xf32, #tpu.memory_space<hbm>> -> memref<10000x8xf32, #tpu.memory_space<hbm>>
        tpu.enqueue_indirect_dma source(%dma_start3A_221 : memref<10000x8xf32, #tpu.memory_space<hbm>>) target(%dma_start3A_215 : memref<128x8xf32, #tpu.memory_space<vmem>>) offsets(%dma_start3A_218 : memref<128xi32, #tpu.memory_space<vmem>>) semaphore(%arg15 : memref<!tpu.dma_semaphore, #tpu.memory_space<semaphore_mem>>)
      } else {
      }
    }
    %scan3A_74 = arith.constant 40 : i32
    %barrier3A = arith.constant 0 : index
    tpu.barrier barrier_id(%barrier3A)
    %iota3A = tpu.iota {dimensions = array<i32: 0>} : vector<16xi32>
    %shift_right_arithmetic3A = arith.constant 3 : i32
    %shift_right_arithmetic3A_75 = vector.broadcast %shift_right_arithmetic3A : i32 to vector<16xi32>
    %shift_right_arithmetic3A_76 = arith.shrsi %iota3A, %shift_right_arithmetic3A_75 : vector<16xi32>
    %and3A = arith.constant 7 : i32
    %and3A_77 = vector.broadcast %and3A : i32 to vector<16xi32>
    %and3A_78 = arith.andi %iota3A, %and3A_77 : vector<16xi32>
    %mul3A_79 = arith.constant 640 : i32
    %mul3A_80 = arith.muli %arg1, %mul3A_79 : i32
    %run_scoped3A = arith.constant 0 : i32
    "tpu.region"() ({
      %run_scoped3A_161 = tpu.sem_alloc : memref<!tpu.dma_semaphore, #tpu.memory_space<semaphore_mem>>
      %dma_start3A_162 = arith.constant 0 : i32
      %dma_start3A_163 = arith.constant 0 : i32
      %dma_start3A_164 = tpu.memref_slice %arg11[%run_scoped3A, %dma_start3A_162, %dma_start3A_163] : memref<16x10240x8xf32, #tpu.memory_space<vmem_shared>> -> memref<1x10240x8xf32, #tpu.memory_space<vmem_shared>>
      %dma_start3A_165 = tpu.memref_squeeze %dma_start3A_164 : memref<1x10240x8xf32, #tpu.memory_space<vmem_shared>> -> memref<10240x8xf32, #tpu.memory_space<vmem_shared>>
      %dma_start3A_166 = arith.constant 0 : i32
      %dma_start3A_167 = tpu.memref_slice %dma_start3A_165[%mul3A_80, %dma_start3A_166] : memref<10240x8xf32, #tpu.memory_space<vmem_shared>> -> memref<640x8xf32, #tpu.memory_space<vmem_shared>>
      %dma_start3A_168 = arith.constant 0 : i32
      %dma_start3A_169 = arith.constant 0 : i32
      %dma_start3A_170 = tpu.memref_slice %arg11[%run_scoped3A, %dma_start3A_168, %dma_start3A_169] : memref<16x10240x8xf32, #tpu.memory_space<vmem_shared>> -> memref<1x10240x8xf32, #tpu.memory_space<vmem_shared>>
      %dma_start3A_171 = tpu.memref_squeeze %dma_start3A_170 : memref<1x10240x8xf32, #tpu.memory_space<vmem_shared>> -> memref<10240x8xf32, #tpu.memory_space<vmem_shared>>
      %dma_start3A_172 = arith.constant 0 : i32
      %dma_start3A_173 = tpu.memref_slice %dma_start3A_171[%mul3A_80, %dma_start3A_172] : memref<10240x8xf32, #tpu.memory_space<vmem_shared>> -> memref<640x8xf32, #tpu.memory_space<vmem_shared>>
      tpu.enqueue_dma source(%dma_start3A_173 : memref<640x8xf32, #tpu.memory_space<vmem_shared>>) target(%arg9 : memref<640x8xf32, #tpu.memory_space<vmem>>) target_semaphore(%run_scoped3A_161 : memref<!tpu.dma_semaphore, #tpu.memory_space<semaphore_mem>>)
      %dma_wait3A_174 = arith.constant 0 : i32
      %dma_wait3A_175 = arith.constant 0 : i32
      %dma_wait3A_176 = tpu.memref_slice %arg11[%run_scoped3A, %dma_wait3A_174, %dma_wait3A_175] : memref<16x10240x8xf32, #tpu.memory_space<vmem_shared>> -> memref<1x10240x8xf32, #tpu.memory_space<vmem_shared>>
      %dma_wait3A_177 = tpu.memref_squeeze %dma_wait3A_176 : memref<1x10240x8xf32, #tpu.memory_space<vmem_shared>> -> memref<10240x8xf32, #tpu.memory_space<vmem_shared>>
      %dma_wait3A_178 = arith.constant 0 : i32
      %dma_wait3A_179 = tpu.memref_slice %dma_wait3A_177[%mul3A_80, %dma_wait3A_178] : memref<10240x8xf32, #tpu.memory_space<vmem_shared>> -> memref<640x8xf32, #tpu.memory_space<vmem_shared>>
      %dma_wait3A_180 = arith.constant 0 : i32
      %dma_wait3A_181 = arith.constant 0 : i32
      %dma_wait3A_182 = tpu.memref_slice %arg11[%run_scoped3A, %dma_wait3A_180, %dma_wait3A_181] : memref<16x10240x8xf32, #tpu.memory_space<vmem_shared>> -> memref<1x10240x8xf32, #tpu.memory_space<vmem_shared>>
      %dma_wait3A_183 = tpu.memref_squeeze %dma_wait3A_182 : memref<1x10240x8xf32, #tpu.memory_space<vmem_shared>> -> memref<10240x8xf32, #tpu.memory_space<vmem_shared>>
      %dma_wait3A_184 = arith.constant 0 : i32
      %dma_wait3A_185 = tpu.memref_slice %dma_wait3A_183[%mul3A_80, %dma_wait3A_184] : memref<10240x8xf32, #tpu.memory_space<vmem_shared>> -> memref<640x8xf32, #tpu.memory_space<vmem_shared>>
      tpu.wait_dma2 semaphore(%run_scoped3A_161 : memref<!tpu.dma_semaphore, #tpu.memory_space<semaphore_mem>>) src(%dma_wait3A_185 : memref<640x8xf32, #tpu.memory_space<vmem_shared>>) dst(%arg9 : memref<640x8xf32, #tpu.memory_space<vmem>>)
      tpu.yield
    }) : () -> ()
    %dma_start3A_81 = arith.constant 1 : i32
    %dma_start3A_82 = arith.constant 0 : i32
    %dma_start3A_83 = arith.constant 0 : i32
    %dma_start3A_84 = arith.constant 0 : i32
    %dma_start3A_85 = tpu.memref_slice %arg10[%dma_start3A_82, %dma_start3A_83, %dma_start3A_84] : memref<2x640x8xf32, #tpu.memory_space<vmem>> -> memref<1x640x8xf32, #tpu.memory_space<vmem>>
    %dma_start3A_86 = tpu.memref_squeeze %dma_start3A_85 : memref<1x640x8xf32, #tpu.memory_space<vmem>> -> memref<640x8xf32, #tpu.memory_space<vmem>>
    %dma_start3A_87 = arith.constant 0 : i32
    %dma_start3A_88 = arith.constant 0 : i32
    %dma_start3A_89 = tpu.memref_slice %arg11[%dma_start3A_81, %dma_start3A_87, %dma_start3A_88] : memref<16x10240x8xf32, #tpu.memory_space<vmem_shared>> -> memref<1x10240x8xf32, #tpu.memory_space<vmem_shared>>
    %dma_start3A_90 = tpu.memref_squeeze %dma_start3A_89 : memref<1x10240x8xf32, #tpu.memory_space<vmem_shared>> -> memref<10240x8xf32, #tpu.memory_space<vmem_shared>>
    %dma_start3A_91 = arith.constant 0 : i32
    %dma_start3A_92 = tpu.memref_slice %dma_start3A_90[%mul3A_80, %dma_start3A_91] : memref<10240x8xf32, #tpu.memory_space<vmem_shared>> -> memref<640x8xf32, #tpu.memory_space<vmem_shared>>
    %dma_start3A_93 = arith.constant 0 : i32
    %dma_start3A_94 = arith.constant 0 : i32
    %dma_start3A_95 = tpu.memref_slice %arg10[%dma_start3A_82, %dma_start3A_93, %dma_start3A_94] : memref<2x640x8xf32, #tpu.memory_space<vmem>> -> memref<1x640x8xf32, #tpu.memory_space<vmem>>
    %dma_start3A_96 = tpu.memref_squeeze %dma_start3A_95 : memref<1x640x8xf32, #tpu.memory_space<vmem>> -> memref<640x8xf32, #tpu.memory_space<vmem>>
    %dma_start3A_97 = arith.constant 0 : i32
    %dma_start3A_98 = arith.constant 0 : i32
    %dma_start3A_99 = tpu.memref_slice %arg11[%dma_start3A_81, %dma_start3A_97, %dma_start3A_98] : memref<16x10240x8xf32, #tpu.memory_space<vmem_shared>> -> memref<1x10240x8xf32, #tpu.memory_space<vmem_shared>>
    %dma_start3A_100 = tpu.memref_squeeze %dma_start3A_99 : memref<1x10240x8xf32, #tpu.memory_space<vmem_shared>> -> memref<10240x8xf32, #tpu.memory_space<vmem_shared>>
    %dma_start3A_101 = arith.constant 0 : i32
    %dma_start3A_102 = tpu.memref_slice %dma_start3A_100[%mul3A_80, %dma_start3A_101] : memref<10240x8xf32, #tpu.memory_space<vmem_shared>> -> memref<640x8xf32, #tpu.memory_space<vmem_shared>>
    tpu.enqueue_dma source(%dma_start3A_102 : memref<640x8xf32, #tpu.memory_space<vmem_shared>>) target(%dma_start3A_96 : memref<640x8xf32, #tpu.memory_space<vmem>>) target_semaphore(%arg16 : memref<!tpu.dma_semaphore, #tpu.memory_space<semaphore_mem>>)
    %dma_start3A_103 = arith.constant 2 : i32
    %dma_start3A_104 = arith.constant 1 : i32
    %dma_start3A_105 = arith.constant 0 : i32
    %dma_start3A_106 = arith.constant 0 : i32
    %dma_start3A_107 = tpu.memref_slice %arg10[%dma_start3A_104, %dma_start3A_105, %dma_start3A_106] : memref<2x640x8xf32, #tpu.memory_space<vmem>> -> memref<1x640x8xf32, #tpu.memory_space<vmem>>
    %dma_start3A_108 = tpu.memref_squeeze %dma_start3A_107 : memref<1x640x8xf32, #tpu.memory_space<vmem>> -> memref<640x8xf32, #tpu.memory_space<vmem>>
    %dma_start3A_109 = arith.constant 0 : i32
    %dma_start3A_110 = arith.constant 0 : i32
    %dma_start3A_111 = tpu.memref_slice %arg11[%dma_start3A_103, %dma_start3A_109, %dma_start3A_110] : memref<16x10240x8xf32, #tpu.memory_space<vmem_shared>> -> memref<1x10240x8xf32, #tpu.memory_space<vmem_shared>>
    %dma_start3A_112 = tpu.memref_squeeze %dma_start3A_111 : memref<1x10240x8xf32, #tpu.memory_space<vmem_shared>> -> memref<10240x8xf32, #tpu.memory_space<vmem_shared>>
    %dma_start3A_113 = arith.constant 0 : i32
    %dma_start3A_114 = tpu.memref_slice %dma_start3A_112[%mul3A_80, %dma_start3A_113] : memref<10240x8xf32, #tpu.memory_space<vmem_shared>> -> memref<640x8xf32, #tpu.memory_space<vmem_shared>>
    %dma_start3A_115 = arith.constant 0 : i32
    %dma_start3A_116 = arith.constant 0 : i32
    %dma_start3A_117 = tpu.memref_slice %arg10[%dma_start3A_104, %dma_start3A_115, %dma_start3A_116] : memref<2x640x8xf32, #tpu.memory_space<vmem>> -> memref<1x640x8xf32, #tpu.memory_space<vmem>>
    %dma_start3A_118 = tpu.memref_squeeze %dma_start3A_117 : memref<1x640x8xf32, #tpu.memory_space<vmem>> -> memref<640x8xf32, #tpu.memory_space<vmem>>
    %dma_start3A_119 = arith.constant 0 : i32
    %dma_start3A_120 = arith.constant 0 : i32
    %dma_start3A_121 = tpu.memref_slice %arg11[%dma_start3A_103, %dma_start3A_119, %dma_start3A_120] : memref<16x10240x8xf32, #tpu.memory_space<vmem_shared>> -> memref<1x10240x8xf32, #tpu.memory_space<vmem_shared>>
    %dma_start3A_122 = tpu.memref_squeeze %dma_start3A_121 : memref<1x10240x8xf32, #tpu.memory_space<vmem_shared>> -> memref<10240x8xf32, #tpu.memory_space<vmem_shared>>
    %dma_start3A_123 = arith.constant 0 : i32
    %dma_start3A_124 = tpu.memref_slice %dma_start3A_122[%mul3A_80, %dma_start3A_123] : memref<10240x8xf32, #tpu.memory_space<vmem_shared>> -> memref<640x8xf32, #tpu.memory_space<vmem_shared>>
    tpu.enqueue_dma source(%dma_start3A_124 : memref<640x8xf32, #tpu.memory_space<vmem_shared>>) target(%dma_start3A_118 : memref<640x8xf32, #tpu.memory_space<vmem>>) target_semaphore(%arg17 : memref<!tpu.dma_semaphore, #tpu.memory_space<semaphore_mem>>)
    %scan3A_125 = arith.constant 1 : i32
    %scan3A_126 = arith.constant 0 : i32
    %scan3A_127 = arith.constant 2 : i32
    %scan3A_128 = arith.constant 1 : i32
    %scan3A_129 = arith.constant 0 : i32
    %scan3A_130 = arith.constant 7 : i32
    %scan3A_131 = arith.addi %scan3A_129, %scan3A_130 : i32
    %scan3A_132 = arith.constant 1 : i32
    scf.for %scan3A_161 = %scan3A_129 to %scan3A_131 step %scan3A_132  : i32 {
      %mul3A_162 = arith.constant 1 : i32
      %mul3A_163 = arith.muli %scan3A_161, %mul3A_162 : i32
      %add3A_164 = arith.constant 0 : i32
      %add3A_165 = arith.addi %add3A_164, %mul3A_163 : i32
      %dma_wait3A_166 = arith.constant 0 : i32
      %dma_wait3A_167 = arith.constant 0 : i32
      %dma_wait3A_168 = tpu.memref_slice %arg10[%scan3A_126, %dma_wait3A_166, %dma_wait3A_167] : memref<2x640x8xf32, #tpu.memory_space<vmem>> -> memref<1x640x8xf32, #tpu.memory_space<vmem>>
      %dma_wait3A_169 = tpu.memref_squeeze %dma_wait3A_168 : memref<1x640x8xf32, #tpu.memory_space<vmem>> -> memref<640x8xf32, #tpu.memory_space<vmem>>
      %dma_wait3A_170 = arith.constant 0 : i32
      %dma_wait3A_171 = arith.constant 0 : i32
      %dma_wait3A_172 = tpu.memref_slice %arg11[%scan3A_125, %dma_wait3A_170, %dma_wait3A_171] : memref<16x10240x8xf32, #tpu.memory_space<vmem_shared>> -> memref<1x10240x8xf32, #tpu.memory_space<vmem_shared>>
      %dma_wait3A_173 = tpu.memref_squeeze %dma_wait3A_172 : memref<1x10240x8xf32, #tpu.memory_space<vmem_shared>> -> memref<10240x8xf32, #tpu.memory_space<vmem_shared>>
      %dma_wait3A_174 = arith.constant 0 : i32
      %dma_wait3A_175 = tpu.memref_slice %dma_wait3A_173[%mul3A_80, %dma_wait3A_174] : memref<10240x8xf32, #tpu.memory_space<vmem_shared>> -> memref<640x8xf32, #tpu.memory_space<vmem_shared>>
      %dma_wait3A_176 = arith.constant 0 : i32
      %dma_wait3A_177 = arith.constant 0 : i32
      %dma_wait3A_178 = tpu.memref_slice %arg10[%scan3A_126, %dma_wait3A_176, %dma_wait3A_177] : memref<2x640x8xf32, #tpu.memory_space<vmem>> -> memref<1x640x8xf32, #tpu.memory_space<vmem>>
      %dma_wait3A_179 = tpu.memref_squeeze %dma_wait3A_178 : memref<1x640x8xf32, #tpu.memory_space<vmem>> -> memref<640x8xf32, #tpu.memory_space<vmem>>
      %dma_wait3A_180 = arith.constant 0 : i32
      %dma_wait3A_181 = arith.constant 0 : i32
      %dma_wait3A_182 = tpu.memref_slice %arg11[%scan3A_125, %dma_wait3A_180, %dma_wait3A_181] : memref<16x10240x8xf32, #tpu.memory_space<vmem_shared>> -> memref<1x10240x8xf32, #tpu.memory_space<vmem_shared>>
      %dma_wait3A_183 = tpu.memref_squeeze %dma_wait3A_182 : memref<1x10240x8xf32, #tpu.memory_space<vmem_shared>> -> memref<10240x8xf32, #tpu.memory_space<vmem_shared>>
      %dma_wait3A_184 = arith.constant 0 : i32
      %dma_wait3A_185 = tpu.memref_slice %dma_wait3A_183[%mul3A_80, %dma_wait3A_184] : memref<10240x8xf32, #tpu.memory_space<vmem_shared>> -> memref<640x8xf32, #tpu.memory_space<vmem_shared>>
      tpu.wait_dma2 semaphore(%arg16 : memref<!tpu.dma_semaphore, #tpu.memory_space<semaphore_mem>>) src(%dma_wait3A_185 : memref<640x8xf32, #tpu.memory_space<vmem_shared>>) dst(%dma_wait3A_179 : memref<640x8xf32, #tpu.memory_space<vmem>>)
      %scan3A_186 = arith.constant 0 : i32
      %scan3A_187 = arith.constant 320 : i32
      %scan3A_188 = arith.addi %scan3A_186, %scan3A_187 : i32
      %scan3A_189 = arith.constant 4 : i32
      scf.for %scan3A_243 = %scan3A_186 to %scan3A_188 step %scan3A_189  : i32 {
        %mul3A_244 = arith.constant 1 : i32
        %mul3A_245 = arith.muli %scan3A_243, %mul3A_244 : i32
        %add3A_246 = arith.constant 0 : i32
        %add3A_247 = arith.addi %add3A_246, %mul3A_245 : i32
        %mul3A_248 = arith.constant 2 : i32
        %mul3A_249 = arith.muli %add3A_247, %mul3A_248 : i32
        %add3A_250 = vector.broadcast %mul3A_249 : i32 to vector<16xi32>
        %add3A_251 = arith.addi %add3A_250, %shift_right_arithmetic3A_76 : vector<16xi32>
        %gather3A = arith.constant 0 : i32
        %gather3A_252 = arith.constant 0 : i32
        %gather3A_253 = arith.constant 0 : i32
        %gather3A_254 = tpu.memref_slice %arg10[%gather3A, %gather3A_252, %gather3A_253] : memref<2x640x8xf32, #tpu.memory_space<vmem>> -> memref<1x640x8xf32, #tpu.memory_space<vmem>>
        %gather3A_255 = tpu.memref_squeeze %gather3A_254 : memref<1x640x8xf32, #tpu.memory_space<vmem>> -> memref<640x8xf32, #tpu.memory_space<vmem>>
        %gather3A_256 = tpu.vector_load_idx %gather3A_255[%add3A_251, %and3A_78] : memref<640x8xf32, #tpu.memory_space<vmem>>[vector<16xi32>, vector<16xi32>], vector<16xf32>,
        %gather3A_257 = tpu.vector_load_idx %arg9[%add3A_251, %and3A_78] : memref<640x8xf32, #tpu.memory_space<vmem>>[vector<16xi32>, vector<16xi32>], vector<16xf32>,
        %add3A_258 = arith.addf %gather3A_257, %gather3A_256 : vector<16xf32>
        tpu.vector_store_idx %arg9[%add3A_251, %and3A_78], %add3A_258 : memref<640x8xf32, #tpu.memory_space<vmem>>[vector<16xi32>, vector<16xi32>], vector<16xf32>,
        %scan3A_259 = arith.constant 1 : i32
        %scan3A_260 = arith.addi %scan3A_243, %scan3A_259 : i32
        %mul3A_261 = arith.constant 1 : i32
        %mul3A_262 = arith.muli %scan3A_260, %mul3A_261 : i32
        %add3A_263 = arith.constant 0 : i32
        %add3A_264 = arith.addi %add3A_263, %mul3A_262 : i32
        %mul3A_265 = arith.constant 2 : i32
        %mul3A_266 = arith.muli %add3A_264, %mul3A_265 : i32
        %add3A_267 = vector.broadcast %mul3A_266 : i32 to vector<16xi32>
        %add3A_268 = arith.addi %add3A_267, %shift_right_arithmetic3A_76 : vector<16xi32>
        %gather3A_269 = arith.constant 0 : i32
        %gather3A_270 = arith.constant 0 : i32
        %gather3A_271 = arith.constant 0 : i32
        %gather3A_272 = tpu.memref_slice %arg10[%gather3A_269, %gather3A_270, %gather3A_271] : memref<2x640x8xf32, #tpu.memory_space<vmem>> -> memref<1x640x8xf32, #tpu.memory_space<vmem>>
        %gather3A_273 = tpu.memref_squeeze %gather3A_272 : memref<1x640x8xf32, #tpu.memory_space<vmem>> -> memref<640x8xf32, #tpu.memory_space<vmem>>
        %gather3A_274 = tpu.vector_load_idx %gather3A_273[%add3A_268, %and3A_78] : memref<640x8xf32, #tpu.memory_space<vmem>>[vector<16xi32>, vector<16xi32>], vector<16xf32>,
        %gather3A_275 = tpu.vector_load_idx %arg9[%add3A_268, %and3A_78] : memref<640x8xf32, #tpu.memory_space<vmem>>[vector<16xi32>, vector<16xi32>], vector<16xf32>,
        %add3A_276 = arith.addf %gather3A_275, %gather3A_274 : vector<16xf32>
        tpu.vector_store_idx %arg9[%add3A_268, %and3A_78], %add3A_276 : memref<640x8xf32, #tpu.memory_space<vmem>>[vector<16xi32>, vector<16xi32>], vector<16xf32>,
        %scan3A_277 = arith.constant 2 : i32
        %scan3A_278 = arith.addi %scan3A_243, %scan3A_277 : i32
        %mul3A_279 = arith.constant 1 : i32
        %mul3A_280 = arith.muli %scan3A_278, %mul3A_279 : i32
        %add3A_281 = arith.constant 0 : i32
        %add3A_282 = arith.addi %add3A_281, %mul3A_280 : i32
        %mul3A_283 = arith.constant 2 : i32
        %mul3A_284 = arith.muli %add3A_282, %mul3A_283 : i32
        %add3A_285 = vector.broadcast %mul3A_284 : i32 to vector<16xi32>
        %add3A_286 = arith.addi %add3A_285, %shift_right_arithmetic3A_76 : vector<16xi32>
        %gather3A_287 = arith.constant 0 : i32
        %gather3A_288 = arith.constant 0 : i32
        %gather3A_289 = arith.constant 0 : i32
        %gather3A_290 = tpu.memref_slice %arg10[%gather3A_287, %gather3A_288, %gather3A_289] : memref<2x640x8xf32, #tpu.memory_space<vmem>> -> memref<1x640x8xf32, #tpu.memory_space<vmem>>
        %gather3A_291 = tpu.memref_squeeze %gather3A_290 : memref<1x640x8xf32, #tpu.memory_space<vmem>> -> memref<640x8xf32, #tpu.memory_space<vmem>>
        %gather3A_292 = tpu.vector_load_idx %gather3A_291[%add3A_286, %and3A_78] : memref<640x8xf32, #tpu.memory_space<vmem>>[vector<16xi32>, vector<16xi32>], vector<16xf32>,
        %gather3A_293 = tpu.vector_load_idx %arg9[%add3A_286, %and3A_78] : memref<640x8xf32, #tpu.memory_space<vmem>>[vector<16xi32>, vector<16xi32>], vector<16xf32>,
        %add3A_294 = arith.addf %gather3A_293, %gather3A_292 : vector<16xf32>
        tpu.vector_store_idx %arg9[%add3A_286, %and3A_78], %add3A_294 : memref<640x8xf32, #tpu.memory_space<vmem>>[vector<16xi32>, vector<16xi32>], vector<16xf32>,
        %scan3A_295 = arith.constant 3 : i32
        %scan3A_296 = arith.addi %scan3A_243, %scan3A_295 : i32
        %mul3A_297 = arith.constant 1 : i32
        %mul3A_298 = arith.muli %scan3A_296, %mul3A_297 : i32
        %add3A_299 = arith.constant 0 : i32
        %add3A_300 = arith.addi %add3A_299, %mul3A_298 : i32
        %mul3A_301 = arith.constant 2 : i32
        %mul3A_302 = arith.muli %add3A_300, %mul3A_301 : i32
        %add3A_303 = vector.broadcast %mul3A_302 : i32 to vector<16xi32>
        %add3A_304 = arith.addi %add3A_303, %shift_right_arithmetic3A_76 : vector<16xi32>
        %gather3A_305 = arith.constant 0 : i32
        %gather3A_306 = arith.constant 0 : i32
        %gather3A_307 = arith.constant 0 : i32
        %gather3A_308 = tpu.memref_slice %arg10[%gather3A_305, %gather3A_306, %gather3A_307] : memref<2x640x8xf32, #tpu.memory_space<vmem>> -> memref<1x640x8xf32, #tpu.memory_space<vmem>>
        %gather3A_309 = tpu.memref_squeeze %gather3A_308 : memref<1x640x8xf32, #tpu.memory_space<vmem>> -> memref<640x8xf32, #tpu.memory_space<vmem>>
        %gather3A_310 = tpu.vector_load_idx %gather3A_309[%add3A_304, %and3A_78] : memref<640x8xf32, #tpu.memory_space<vmem>>[vector<16xi32>, vector<16xi32>], vector<16xf32>,
        %gather3A_311 = tpu.vector_load_idx %arg9[%add3A_304, %and3A_78] : memref<640x8xf32, #tpu.memory_space<vmem>>[vector<16xi32>, vector<16xi32>], vector<16xf32>,
        %add3A_312 = arith.addf %gather3A_311, %gather3A_310 : vector<16xf32>
        tpu.vector_store_idx %arg9[%add3A_304, %and3A_78], %add3A_312 : memref<640x8xf32, #tpu.memory_space<vmem>>[vector<16xi32>, vector<16xi32>], vector<16xf32>,
      }
      %scan3A_190 = arith.constant 320 : i32
      %mul3A_191 = arith.constant 2 : i32
      %mul3A_192 = arith.muli %mul3A_191, %add3A_165 : i32
      %add3A_193 = arith.constant 3 : i32
      %add3A_194 = arith.addi %mul3A_192, %add3A_193 : i32
      %dma_start3A_195 = arith.constant 0 : i32
      %dma_start3A_196 = arith.constant 0 : i32
      %dma_start3A_197 = arith.constant 0 : i32
      %dma_start3A_198 = tpu.memref_slice %arg10[%dma_start3A_195, %dma_start3A_196, %dma_start3A_197] : memref<2x640x8xf32, #tpu.memory_space<vmem>> -> memref<1x640x8xf32, #tpu.memory_space<vmem>>
      %dma_start3A_199 = tpu.memref_squeeze %dma_start3A_198 : memref<1x640x8xf32, #tpu.memory_space<vmem>> -> memref<640x8xf32, #tpu.memory_space<vmem>>
      %dma_start3A_200 = arith.constant 0 : i32
      %dma_start3A_201 = arith.constant 0 : i32
      %dma_start3A_202 = tpu.memref_slice %arg11[%add3A_194, %dma_start3A_200, %dma_start3A_201] : memref<16x10240x8xf32, #tpu.memory_space<vmem_shared>> -> memref<1x10240x8xf32, #tpu.memory_space<vmem_shared>>
      %dma_start3A_203 = tpu.memref_squeeze %dma_start3A_202 : memref<1x10240x8xf32, #tpu.memory_space<vmem_shared>> -> memref<10240x8xf32, #tpu.memory_space<vmem_shared>>
      %dma_start3A_204 = arith.constant 0 : i32
      %dma_start3A_205 = tpu.memref_slice %dma_start3A_203[%mul3A_80, %dma_start3A_204] : memref<10240x8xf32, #tpu.memory_space<vmem_shared>> -> memref<640x8xf32, #tpu.memory_space<vmem_shared>>
      %dma_start3A_206 = arith.constant 0 : i32
      %dma_start3A_207 = arith.constant 0 : i32
      %dma_start3A_208 = tpu.memref_slice %arg10[%dma_start3A_195, %dma_start3A_206, %dma_start3A_207] : memref<2x640x8xf32, #tpu.memory_space<vmem>> -> memref<1x640x8xf32, #tpu.memory_space<vmem>>
      %dma_start3A_209 = tpu.memref_squeeze %dma_start3A_208 : memref<1x640x8xf32, #tpu.memory_space<vmem>> -> memref<640x8xf32, #tpu.memory_space<vmem>>
      %dma_start3A_210 = arith.constant 0 : i32
      %dma_start3A_211 = arith.constant 0 : i32
      %dma_start3A_212 = tpu.memref_slice %arg11[%add3A_194, %dma_start3A_210, %dma_start3A_211] : memref<16x10240x8xf32, #tpu.memory_space<vmem_shared>> -> memref<1x10240x8xf32, #tpu.memory_space<vmem_shared>>
      %dma_start3A_213 = tpu.memref_squeeze %dma_start3A_212 : memref<1x10240x8xf32, #tpu.memory_space<vmem_shared>> -> memref<10240x8xf32, #tpu.memory_space<vmem_shared>>
      %dma_start3A_214 = arith.constant 0 : i32
      %dma_start3A_215 = tpu.memref_slice %dma_start3A_213[%mul3A_80, %dma_start3A_214] : memref<10240x8xf32, #tpu.memory_space<vmem_shared>> -> memref<640x8xf32, #tpu.memory_space<vmem_shared>>
      tpu.enqueue_dma source(%dma_start3A_215 : memref<640x8xf32, #tpu.memory_space<vmem_shared>>) target(%dma_start3A_209 : memref<640x8xf32, #tpu.memory_space<vmem>>) target_semaphore(%arg16 : memref<!tpu.dma_semaphore, #tpu.memory_space<semaphore_mem>>)
      %dma_wait3A_216 = arith.constant 0 : i32
      %dma_wait3A_217 = arith.constant 0 : i32
      %dma_wait3A_218 = tpu.memref_slice %arg10[%scan3A_128, %dma_wait3A_216, %dma_wait3A_217] : memref<2x640x8xf32, #tpu.memory_space<vmem>> -> memref<1x640x8xf32, #tpu.memory_space<vmem>>
      %dma_wait3A_219 = tpu.memref_squeeze %dma_wait3A_218 : memref<1x640x8xf32, #tpu.memory_space<vmem>> -> memref<640x8xf32, #tpu.memory_space<vmem>>
      %dma_wait3A_220 = arith.constant 0 : i32
      %dma_wait3A_221 = arith.constant 0 : i32
      %dma_wait3A_222 = tpu.memref_slice %arg11[%scan3A_127, %dma_wait3A_220, %dma_wait3A_221] : memref<16x10240x8xf32, #tpu.memory_space<vmem_shared>> -> memref<1x10240x8xf32, #tpu.memory_space<vmem_shared>>
      %dma_wait3A_223 = tpu.memref_squeeze %dma_wait3A_222 : memref<1x10240x8xf32, #tpu.memory_space<vmem_shared>> -> memref<10240x8xf32, #tpu.memory_space<vmem_shared>>
      %dma_wait3A_224 = arith.constant 0 : i32
      %dma_wait3A_225 = tpu.memref_slice %dma_wait3A_223[%mul3A_80, %dma_wait3A_224] : memref<10240x8xf32, #tpu.memory_space<vmem_shared>> -> memref<640x8xf32, #tpu.memory_space<vmem_shared>>
      %dma_wait3A_226 = arith.constant 0 : i32
      %dma_wait3A_227 = arith.constant 0 : i32
      %dma_wait3A_228 = tpu.memref_slice %arg10[%scan3A_128, %dma_wait3A_226, %dma_wait3A_227] : memref<2x640x8xf32, #tpu.memory_space<vmem>> -> memref<1x640x8xf32, #tpu.memory_space<vmem>>
      %dma_wait3A_229 = tpu.memref_squeeze %dma_wait3A_228 : memref<1x640x8xf32, #tpu.memory_space<vmem>> -> memref<640x8xf32, #tpu.memory_space<vmem>>
      %dma_wait3A_230 = arith.constant 0 : i32
      %dma_wait3A_231 = arith.constant 0 : i32
      %dma_wait3A_232 = tpu.memref_slice %arg11[%scan3A_127, %dma_wait3A_230, %dma_wait3A_231] : memref<16x10240x8xf32, #tpu.memory_space<vmem_shared>> -> memref<1x10240x8xf32, #tpu.memory_space<vmem_shared>>
      %dma_wait3A_233 = tpu.memref_squeeze %dma_wait3A_232 : memref<1x10240x8xf32, #tpu.memory_space<vmem_shared>> -> memref<10240x8xf32, #tpu.memory_space<vmem_shared>>
      %dma_wait3A_234 = arith.constant 0 : i32
      %dma_wait3A_235 = tpu.memref_slice %dma_wait3A_233[%mul3A_80, %dma_wait3A_234] : memref<10240x8xf32, #tpu.memory_space<vmem_shared>> -> memref<640x8xf32, #tpu.memory_space<vmem_shared>>
      tpu.wait_dma2 semaphore(%arg17 : memref<!tpu.dma_semaphore, #tpu.memory_space<semaphore_mem>>) src(%dma_wait3A_235 : memref<640x8xf32, #tpu.memory_space<vmem_shared>>) dst(%dma_wait3A_229 : memref<640x8xf32, #tpu.memory_space<vmem>>)
      %scan3A_236 = arith.constant 0 : i32
      %scan3A_237 = arith.constant 320 : i32
      %scan3A_238 = arith.addi %scan3A_236, %scan3A_237 : i32
      %scan3A_239 = arith.constant 4 : i32
      scf.for %scan3A_243 = %scan3A_236 to %scan3A_238 step %scan3A_239  : i32 {
        %mul3A_244 = arith.constant 1 : i32
        %mul3A_245 = arith.muli %scan3A_243, %mul3A_244 : i32
        %add3A_246 = arith.constant 0 : i32
        %add3A_247 = arith.addi %add3A_246, %mul3A_245 : i32
        %mul3A_248 = arith.constant 2 : i32
        %mul3A_249 = arith.muli %add3A_247, %mul3A_248 : i32
        %add3A_250 = vector.broadcast %mul3A_249 : i32 to vector<16xi32>
        %add3A_251 = arith.addi %add3A_250, %shift_right_arithmetic3A_76 : vector<16xi32>
        %gather3A = arith.constant 1 : i32
        %gather3A_252 = arith.constant 0 : i32
        %gather3A_253 = arith.constant 0 : i32
        %gather3A_254 = tpu.memref_slice %arg10[%gather3A, %gather3A_252, %gather3A_253] : memref<2x640x8xf32, #tpu.memory_space<vmem>> -> memref<1x640x8xf32, #tpu.memory_space<vmem>>
        %gather3A_255 = tpu.memref_squeeze %gather3A_254 : memref<1x640x8xf32, #tpu.memory_space<vmem>> -> memref<640x8xf32, #tpu.memory_space<vmem>>
        %gather3A_256 = tpu.vector_load_idx %gather3A_255[%add3A_251, %and3A_78] : memref<640x8xf32, #tpu.memory_space<vmem>>[vector<16xi32>, vector<16xi32>], vector<16xf32>,
        %gather3A_257 = tpu.vector_load_idx %arg9[%add3A_251, %and3A_78] : memref<640x8xf32, #tpu.memory_space<vmem>>[vector<16xi32>, vector<16xi32>], vector<16xf32>,
        %add3A_258 = arith.addf %gather3A_257, %gather3A_256 : vector<16xf32>
        tpu.vector_store_idx %arg9[%add3A_251, %and3A_78], %add3A_258 : memref<640x8xf32, #tpu.memory_space<vmem>>[vector<16xi32>, vector<16xi32>], vector<16xf32>,
        %scan3A_259 = arith.constant 1 : i32
        %scan3A_260 = arith.addi %scan3A_243, %scan3A_259 : i32
        %mul3A_261 = arith.constant 1 : i32
        %mul3A_262 = arith.muli %scan3A_260, %mul3A_261 : i32
        %add3A_263 = arith.constant 0 : i32
        %add3A_264 = arith.addi %add3A_263, %mul3A_262 : i32
        %mul3A_265 = arith.constant 2 : i32
        %mul3A_266 = arith.muli %add3A_264, %mul3A_265 : i32
        %add3A_267 = vector.broadcast %mul3A_266 : i32 to vector<16xi32>
        %add3A_268 = arith.addi %add3A_267, %shift_right_arithmetic3A_76 : vector<16xi32>
        %gather3A_269 = arith.constant 1 : i32
        %gather3A_270 = arith.constant 0 : i32
        %gather3A_271 = arith.constant 0 : i32
        %gather3A_272 = tpu.memref_slice %arg10[%gather3A_269, %gather3A_270, %gather3A_271] : memref<2x640x8xf32, #tpu.memory_space<vmem>> -> memref<1x640x8xf32, #tpu.memory_space<vmem>>
        %gather3A_273 = tpu.memref_squeeze %gather3A_272 : memref<1x640x8xf32, #tpu.memory_space<vmem>> -> memref<640x8xf32, #tpu.memory_space<vmem>>
        %gather3A_274 = tpu.vector_load_idx %gather3A_273[%add3A_268, %and3A_78] : memref<640x8xf32, #tpu.memory_space<vmem>>[vector<16xi32>, vector<16xi32>], vector<16xf32>,
        %gather3A_275 = tpu.vector_load_idx %arg9[%add3A_268, %and3A_78] : memref<640x8xf32, #tpu.memory_space<vmem>>[vector<16xi32>, vector<16xi32>], vector<16xf32>,
        %add3A_276 = arith.addf %gather3A_275, %gather3A_274 : vector<16xf32>
        tpu.vector_store_idx %arg9[%add3A_268, %and3A_78], %add3A_276 : memref<640x8xf32, #tpu.memory_space<vmem>>[vector<16xi32>, vector<16xi32>], vector<16xf32>,
        %scan3A_277 = arith.constant 2 : i32
        %scan3A_278 = arith.addi %scan3A_243, %scan3A_277 : i32
        %mul3A_279 = arith.constant 1 : i32
        %mul3A_280 = arith.muli %scan3A_278, %mul3A_279 : i32
        %add3A_281 = arith.constant 0 : i32
        %add3A_282 = arith.addi %add3A_281, %mul3A_280 : i32
        %mul3A_283 = arith.constant 2 : i32
        %mul3A_284 = arith.muli %add3A_282, %mul3A_283 : i32
        %add3A_285 = vector.broadcast %mul3A_284 : i32 to vector<16xi32>
        %add3A_286 = arith.addi %add3A_285, %shift_right_arithmetic3A_76 : vector<16xi32>
        %gather3A_287 = arith.constant 1 : i32
        %gather3A_288 = arith.constant 0 : i32
        %gather3A_289 = arith.constant 0 : i32
        %gather3A_290 = tpu.memref_slice %arg10[%gather3A_287, %gather3A_288, %gather3A_289] : memref<2x640x8xf32, #tpu.memory_space<vmem>> -> memref<1x640x8xf32, #tpu.memory_space<vmem>>
        %gather3A_291 = tpu.memref_squeeze %gather3A_290 : memref<1x640x8xf32, #tpu.memory_space<vmem>> -> memref<640x8xf32, #tpu.memory_space<vmem>>
        %gather3A_292 = tpu.vector_load_idx %gather3A_291[%add3A_286, %and3A_78] : memref<640x8xf32, #tpu.memory_space<vmem>>[vector<16xi32>, vector<16xi32>], vector<16xf32>,
        %gather3A_293 = tpu.vector_load_idx %arg9[%add3A_286, %and3A_78] : memref<640x8xf32, #tpu.memory_space<vmem>>[vector<16xi32>, vector<16xi32>], vector<16xf32>,
        %add3A_294 = arith.addf %gather3A_293, %gather3A_292 : vector<16xf32>
        tpu.vector_store_idx %arg9[%add3A_286, %and3A_78], %add3A_294 : memref<640x8xf32, #tpu.memory_space<vmem>>[vector<16xi32>, vector<16xi32>], vector<16xf32>,
        %scan3A_295 = arith.constant 3 : i32
        %scan3A_296 = arith.addi %scan3A_243, %scan3A_295 : i32
        %mul3A_297 = arith.constant 1 : i32
        %mul3A_298 = arith.muli %scan3A_296, %mul3A_297 : i32
        %add3A_299 = arith.constant 0 : i32
        %add3A_300 = arith.addi %add3A_299, %mul3A_298 : i32
        %mul3A_301 = arith.constant 2 : i32
        %mul3A_302 = arith.muli %add3A_300, %mul3A_301 : i32
        %add3A_303 = vector.broadcast %mul3A_302 : i32 to vector<16xi32>
        %add3A_304 = arith.addi %add3A_303, %shift_right_arithmetic3A_76 : vector<16xi32>
        %gather3A_305 = arith.constant 1 : i32
        %gather3A_306 = arith.constant 0 : i32
        %gather3A_307 = arith.constant 0 : i32
        %gather3A_308 = tpu.memref_slice %arg10[%gather3A_305, %gather3A_306, %gather3A_307] : memref<2x640x8xf32, #tpu.memory_space<vmem>> -> memref<1x640x8xf32, #tpu.memory_space<vmem>>
        %gather3A_309 = tpu.memref_squeeze %gather3A_308 : memref<1x640x8xf32, #tpu.memory_space<vmem>> -> memref<640x8xf32, #tpu.memory_space<vmem>>
        %gather3A_310 = tpu.vector_load_idx %gather3A_309[%add3A_304, %and3A_78] : memref<640x8xf32, #tpu.memory_space<vmem>>[vector<16xi32>, vector<16xi32>], vector<16xf32>,
        %gather3A_311 = tpu.vector_load_idx %arg9[%add3A_304, %and3A_78] : memref<640x8xf32, #tpu.memory_space<vmem>>[vector<16xi32>, vector<16xi32>], vector<16xf32>,
        %add3A_312 = arith.addf %gather3A_311, %gather3A_310 : vector<16xf32>
        tpu.vector_store_idx %arg9[%add3A_304, %and3A_78], %add3A_312 : memref<640x8xf32, #tpu.memory_space<vmem>>[vector<16xi32>, vector<16xi32>], vector<16xf32>,
      }
      %scan3A_240 = arith.constant 320 : i32
      %lt3A = arith.constant 6 : i32
      %lt3A_241 = arith.cmpi slt, %add3A_165, %lt3A : i32
      %convert_element_type3A = arith.extui %lt3A_241 : i1 to i32
      %cond3A = arith.constant 0 : i32
      %cond3A_242 = arith.cmpi ne, %convert_element_type3A, %cond3A : i32
      scf.if %cond3A_242 {
        %mul3A_243 = arith.constant 2 : i32
        %mul3A_244 = arith.muli %mul3A_243, %add3A_165 : i32
        %add3A_245 = arith.constant 4 : i32
        %add3A_246 = arith.addi %mul3A_244, %add3A_245 : i32
        %dma_start3A_247 = arith.constant 1 : i32
        %dma_start3A_248 = arith.constant 0 : i32
        %dma_start3A_249 = arith.constant 0 : i32
        %dma_start3A_250 = tpu.memref_slice %arg10[%dma_start3A_247, %dma_start3A_248, %dma_start3A_249] : memref<2x640x8xf32, #tpu.memory_space<vmem>> -> memref<1x640x8xf32, #tpu.memory_space<vmem>>
        %dma_start3A_251 = tpu.memref_squeeze %dma_start3A_250 : memref<1x640x8xf32, #tpu.memory_space<vmem>> -> memref<640x8xf32, #tpu.memory_space<vmem>>
        %dma_start3A_252 = arith.constant 0 : i32
        %dma_start3A_253 = arith.constant 0 : i32
        %dma_start3A_254 = tpu.memref_slice %arg11[%add3A_246, %dma_start3A_252, %dma_start3A_253] : memref<16x10240x8xf32, #tpu.memory_space<vmem_shared>> -> memref<1x10240x8xf32, #tpu.memory_space<vmem_shared>>
        %dma_start3A_255 = tpu.memref_squeeze %dma_start3A_254 : memref<1x10240x8xf32, #tpu.memory_space<vmem_shared>> -> memref<10240x8xf32, #tpu.memory_space<vmem_shared>>
        %dma_start3A_256 = arith.constant 0 : i32
        %dma_start3A_257 = tpu.memref_slice %dma_start3A_255[%mul3A_80, %dma_start3A_256] : memref<10240x8xf32, #tpu.memory_space<vmem_shared>> -> memref<640x8xf32, #tpu.memory_space<vmem_shared>>
        %dma_start3A_258 = arith.constant 0 : i32
        %dma_start3A_259 = arith.constant 0 : i32
        %dma_start3A_260 = tpu.memref_slice %arg10[%dma_start3A_247, %dma_start3A_258, %dma_start3A_259] : memref<2x640x8xf32, #tpu.memory_space<vmem>> -> memref<1x640x8xf32, #tpu.memory_space<vmem>>
        %dma_start3A_261 = tpu.memref_squeeze %dma_start3A_260 : memref<1x640x8xf32, #tpu.memory_space<vmem>> -> memref<640x8xf32, #tpu.memory_space<vmem>>
        %dma_start3A_262 = arith.constant 0 : i32
        %dma_start3A_263 = arith.constant 0 : i32
        %dma_start3A_264 = tpu.memref_slice %arg11[%add3A_246, %dma_start3A_262, %dma_start3A_263] : memref<16x10240x8xf32, #tpu.memory_space<vmem_shared>> -> memref<1x10240x8xf32, #tpu.memory_space<vmem_shared>>
        %dma_start3A_265 = tpu.memref_squeeze %dma_start3A_264 : memref<1x10240x8xf32, #tpu.memory_space<vmem_shared>> -> memref<10240x8xf32, #tpu.memory_space<vmem_shared>>
        %dma_start3A_266 = arith.constant 0 : i32
        %dma_start3A_267 = tpu.memref_slice %dma_start3A_265[%mul3A_80, %dma_start3A_266] : memref<10240x8xf32, #tpu.memory_space<vmem_shared>> -> memref<640x8xf32, #tpu.memory_space<vmem_shared>>
        tpu.enqueue_dma source(%dma_start3A_267 : memref<640x8xf32, #tpu.memory_space<vmem_shared>>) target(%dma_start3A_261 : memref<640x8xf32, #tpu.memory_space<vmem>>) target_semaphore(%arg17 : memref<!tpu.dma_semaphore, #tpu.memory_space<semaphore_mem>>)
      } else {
      }
    }
    %scan3A_133 = arith.constant 7 : i32
    %dma_wait3A_134 = arith.constant 1 : i32
    %dma_wait3A_135 = arith.constant 0 : i32
    %dma_wait3A_136 = arith.constant 0 : i32
    %dma_wait3A_137 = arith.constant 0 : i32
    %dma_wait3A_138 = tpu.memref_slice %arg10[%dma_wait3A_135, %dma_wait3A_136, %dma_wait3A_137] : memref<2x640x8xf32, #tpu.memory_space<vmem>> -> memref<1x640x8xf32, #tpu.memory_space<vmem>>
    %dma_wait3A_139 = tpu.memref_squeeze %dma_wait3A_138 : memref<1x640x8xf32, #tpu.memory_space<vmem>> -> memref<640x8xf32, #tpu.memory_space<vmem>>
    %dma_wait3A_140 = arith.constant 0 : i32
    %dma_wait3A_141 = arith.constant 0 : i32
    %dma_wait3A_142 = tpu.memref_slice %arg11[%dma_wait3A_134, %dma_wait3A_140, %dma_wait3A_141] : memref<16x10240x8xf32, #tpu.memory_space<vmem_shared>> -> memref<1x10240x8xf32, #tpu.memory_space<vmem_shared>>
    %dma_wait3A_143 = tpu.memref_squeeze %dma_wait3A_142 : memref<1x10240x8xf32, #tpu.memory_space<vmem_shared>> -> memref<10240x8xf32, #tpu.memory_space<vmem_shared>>
    %dma_wait3A_144 = arith.constant 0 : i32
    %dma_wait3A_145 = tpu.memref_slice %dma_wait3A_143[%mul3A_80, %dma_wait3A_144] : memref<10240x8xf32, #tpu.memory_space<vmem_shared>> -> memref<640x8xf32, #tpu.memory_space<vmem_shared>>
    %dma_wait3A_146 = arith.constant 0 : i32
    %dma_wait3A_147 = arith.constant 0 : i32
    %dma_wait3A_148 = tpu.memref_slice %arg10[%dma_wait3A_135, %dma_wait3A_146, %dma_wait3A_147] : memref<2x640x8xf32, #tpu.memory_space<vmem>> -> memref<1x640x8xf32, #tpu.memory_space<vmem>>
    %dma_wait3A_149 = tpu.memref_squeeze %dma_wait3A_148 : memref<1x640x8xf32, #tpu.memory_space<vmem>> -> memref<640x8xf32, #tpu.memory_space<vmem>>
    %dma_wait3A_150 = arith.constant 0 : i32
    %dma_wait3A_151 = arith.constant 0 : i32
    %dma_wait3A_152 = tpu.memref_slice %arg11[%dma_wait3A_134, %dma_wait3A_150, %dma_wait3A_151] : memref<16x10240x8xf32, #tpu.memory_space<vmem_shared>> -> memref<1x10240x8xf32, #tpu.memory_space<vmem_shared>>
    %dma_wait3A_153 = tpu.memref_squeeze %dma_wait3A_152 : memref<1x10240x8xf32, #tpu.memory_space<vmem_shared>> -> memref<10240x8xf32, #tpu.memory_space<vmem_shared>>
    %dma_wait3A_154 = arith.constant 0 : i32
    %dma_wait3A_155 = tpu.memref_slice %dma_wait3A_153[%mul3A_80, %dma_wait3A_154] : memref<10240x8xf32, #tpu.memory_space<vmem_shared>> -> memref<640x8xf32, #tpu.memory_space<vmem_shared>>
    tpu.wait_dma2 semaphore(%arg16 : memref<!tpu.dma_semaphore, #tpu.memory_space<semaphore_mem>>) src(%dma_wait3A_155 : memref<640x8xf32, #tpu.memory_space<vmem_shared>>) dst(%dma_wait3A_149 : memref<640x8xf32, #tpu.memory_space<vmem>>)
    %scan3A_156 = arith.constant 0 : i32
    %scan3A_157 = arith.constant 320 : i32
    %scan3A_158 = arith.addi %scan3A_156, %scan3A_157 : i32
    %scan3A_159 = arith.constant 4 : i32
    scf.for %scan3A_161 = %scan3A_156 to %scan3A_158 step %scan3A_159  : i32 {
      %mul3A_162 = arith.constant 1 : i32
      %mul3A_163 = arith.muli %scan3A_161, %mul3A_162 : i32
      %add3A_164 = arith.constant 0 : i32
      %add3A_165 = arith.addi %add3A_164, %mul3A_163 : i32
      %mul3A_166 = arith.constant 2 : i32
      %mul3A_167 = arith.muli %add3A_165, %mul3A_166 : i32
      %add3A_168 = vector.broadcast %mul3A_167 : i32 to vector<16xi32>
      %add3A_169 = arith.addi %add3A_168, %shift_right_arithmetic3A_76 : vector<16xi32>
      %gather3A = arith.constant 0 : i32
      %gather3A_170 = arith.constant 0 : i32
      %gather3A_171 = arith.constant 0 : i32
      %gather3A_172 = tpu.memref_slice %arg10[%gather3A, %gather3A_170, %gather3A_171] : memref<2x640x8xf32, #tpu.memory_space<vmem>> -> memref<1x640x8xf32, #tpu.memory_space<vmem>>
      %gather3A_173 = tpu.memref_squeeze %gather3A_172 : memref<1x640x8xf32, #tpu.memory_space<vmem>> -> memref<640x8xf32, #tpu.memory_space<vmem>>
      %gather3A_174 = tpu.vector_load_idx %gather3A_173[%add3A_169, %and3A_78] : memref<640x8xf32, #tpu.memory_space<vmem>>[vector<16xi32>, vector<16xi32>], vector<16xf32>,
      %gather3A_175 = tpu.vector_load_idx %arg9[%add3A_169, %and3A_78] : memref<640x8xf32, #tpu.memory_space<vmem>>[vector<16xi32>, vector<16xi32>], vector<16xf32>,
      %add3A_176 = arith.addf %gather3A_175, %gather3A_174 : vector<16xf32>
      tpu.vector_store_idx %arg9[%add3A_169, %and3A_78], %add3A_176 : memref<640x8xf32, #tpu.memory_space<vmem>>[vector<16xi32>, vector<16xi32>], vector<16xf32>,
      %scan3A_177 = arith.constant 1 : i32
      %scan3A_178 = arith.addi %scan3A_161, %scan3A_177 : i32
      %mul3A_179 = arith.constant 1 : i32
      %mul3A_180 = arith.muli %scan3A_178, %mul3A_179 : i32
      %add3A_181 = arith.constant 0 : i32
      %add3A_182 = arith.addi %add3A_181, %mul3A_180 : i32
      %mul3A_183 = arith.constant 2 : i32
      %mul3A_184 = arith.muli %add3A_182, %mul3A_183 : i32
      %add3A_185 = vector.broadcast %mul3A_184 : i32 to vector<16xi32>
      %add3A_186 = arith.addi %add3A_185, %shift_right_arithmetic3A_76 : vector<16xi32>
      %gather3A_187 = arith.constant 0 : i32
      %gather3A_188 = arith.constant 0 : i32
      %gather3A_189 = arith.constant 0 : i32
      %gather3A_190 = tpu.memref_slice %arg10[%gather3A_187, %gather3A_188, %gather3A_189] : memref<2x640x8xf32, #tpu.memory_space<vmem>> -> memref<1x640x8xf32, #tpu.memory_space<vmem>>
      %gather3A_191 = tpu.memref_squeeze %gather3A_190 : memref<1x640x8xf32, #tpu.memory_space<vmem>> -> memref<640x8xf32, #tpu.memory_space<vmem>>
      %gather3A_192 = tpu.vector_load_idx %gather3A_191[%add3A_186, %and3A_78] : memref<640x8xf32, #tpu.memory_space<vmem>>[vector<16xi32>, vector<16xi32>], vector<16xf32>,
      %gather3A_193 = tpu.vector_load_idx %arg9[%add3A_186, %and3A_78] : memref<640x8xf32, #tpu.memory_space<vmem>>[vector<16xi32>, vector<16xi32>], vector<16xf32>,
      %add3A_194 = arith.addf %gather3A_193, %gather3A_192 : vector<16xf32>
      tpu.vector_store_idx %arg9[%add3A_186, %and3A_78], %add3A_194 : memref<640x8xf32, #tpu.memory_space<vmem>>[vector<16xi32>, vector<16xi32>], vector<16xf32>,
      %scan3A_195 = arith.constant 2 : i32
      %scan3A_196 = arith.addi %scan3A_161, %scan3A_195 : i32
      %mul3A_197 = arith.constant 1 : i32
      %mul3A_198 = arith.muli %scan3A_196, %mul3A_197 : i32
      %add3A_199 = arith.constant 0 : i32
      %add3A_200 = arith.addi %add3A_199, %mul3A_198 : i32
      %mul3A_201 = arith.constant 2 : i32
      %mul3A_202 = arith.muli %add3A_200, %mul3A_201 : i32
      %add3A_203 = vector.broadcast %mul3A_202 : i32 to vector<16xi32>
      %add3A_204 = arith.addi %add3A_203, %shift_right_arithmetic3A_76 : vector<16xi32>
      %gather3A_205 = arith.constant 0 : i32
      %gather3A_206 = arith.constant 0 : i32
      %gather3A_207 = arith.constant 0 : i32
      %gather3A_208 = tpu.memref_slice %arg10[%gather3A_205, %gather3A_206, %gather3A_207] : memref<2x640x8xf32, #tpu.memory_space<vmem>> -> memref<1x640x8xf32, #tpu.memory_space<vmem>>
      %gather3A_209 = tpu.memref_squeeze %gather3A_208 : memref<1x640x8xf32, #tpu.memory_space<vmem>> -> memref<640x8xf32, #tpu.memory_space<vmem>>
      %gather3A_210 = tpu.vector_load_idx %gather3A_209[%add3A_204, %and3A_78] : memref<640x8xf32, #tpu.memory_space<vmem>>[vector<16xi32>, vector<16xi32>], vector<16xf32>,
      %gather3A_211 = tpu.vector_load_idx %arg9[%add3A_204, %and3A_78] : memref<640x8xf32, #tpu.memory_space<vmem>>[vector<16xi32>, vector<16xi32>], vector<16xf32>,
      %add3A_212 = arith.addf %gather3A_211, %gather3A_210 : vector<16xf32>
      tpu.vector_store_idx %arg9[%add3A_204, %and3A_78], %add3A_212 : memref<640x8xf32, #tpu.memory_space<vmem>>[vector<16xi32>, vector<16xi32>], vector<16xf32>,
      %scan3A_213 = arith.constant 3 : i32
      %scan3A_214 = arith.addi %scan3A_161, %scan3A_213 : i32
      %mul3A_215 = arith.constant 1 : i32
      %mul3A_216 = arith.muli %scan3A_214, %mul3A_215 : i32
      %add3A_217 = arith.constant 0 : i32
      %add3A_218 = arith.addi %add3A_217, %mul3A_216 : i32
      %mul3A_219 = arith.constant 2 : i32
      %mul3A_220 = arith.muli %add3A_218, %mul3A_219 : i32
      %add3A_221 = vector.broadcast %mul3A_220 : i32 to vector<16xi32>
      %add3A_222 = arith.addi %add3A_221, %shift_right_arithmetic3A_76 : vector<16xi32>
      %gather3A_223 = arith.constant 0 : i32
      %gather3A_224 = arith.constant 0 : i32
      %gather3A_225 = arith.constant 0 : i32
      %gather3A_226 = tpu.memref_slice %arg10[%gather3A_223, %gather3A_224, %gather3A_225] : memref<2x640x8xf32, #tpu.memory_space<vmem>> -> memref<1x640x8xf32, #tpu.memory_space<vmem>>
      %gather3A_227 = tpu.memref_squeeze %gather3A_226 : memref<1x640x8xf32, #tpu.memory_space<vmem>> -> memref<640x8xf32, #tpu.memory_space<vmem>>
      %gather3A_228 = tpu.vector_load_idx %gather3A_227[%add3A_222, %and3A_78] : memref<640x8xf32, #tpu.memory_space<vmem>>[vector<16xi32>, vector<16xi32>], vector<16xf32>,
      %gather3A_229 = tpu.vector_load_idx %arg9[%add3A_222, %and3A_78] : memref<640x8xf32, #tpu.memory_space<vmem>>[vector<16xi32>, vector<16xi32>], vector<16xf32>,
      %add3A_230 = arith.addf %gather3A_229, %gather3A_228 : vector<16xf32>
      tpu.vector_store_idx %arg9[%add3A_222, %and3A_78], %add3A_230 : memref<640x8xf32, #tpu.memory_space<vmem>>[vector<16xi32>, vector<16xi32>], vector<16xf32>,
    }
    %scan3A_160 = arith.constant 320 : i32
    "tpu.region"() ({
      %run_scoped3A_161 = tpu.sem_alloc : memref<!tpu.dma_semaphore, #tpu.memory_space<semaphore_mem>>
      %dma_start3A_162 = arith.constant 0 : i32
      %dma_start3A_163 = arith.constant 0 : i32
      %dma_start3A_164 = tpu.memref_slice %arg5[%arg0, %dma_start3A_162, %dma_start3A_163] : memref<2x10240x8xf32, #tpu.memory_space<hbm>> -> memref<1x10240x8xf32, #tpu.memory_space<hbm>>
      %dma_start3A_165 = tpu.memref_squeeze %dma_start3A_164 : memref<1x10240x8xf32, #tpu.memory_space<hbm>> -> memref<10240x8xf32, #tpu.memory_space<hbm>>
      %dma_start3A_166 = arith.constant 0 : i32
      %dma_start3A_167 = tpu.memref_slice %dma_start3A_165[%mul3A_80, %dma_start3A_166] : memref<10240x8xf32, #tpu.memory_space<hbm>> -> memref<640x8xf32, #tpu.memory_space<hbm>>
      %dma_start3A_168 = arith.constant 0 : i32
      %dma_start3A_169 = arith.constant 0 : i32
      %dma_start3A_170 = tpu.memref_slice %arg5[%arg0, %dma_start3A_168, %dma_start3A_169] : memref<2x10240x8xf32, #tpu.memory_space<hbm>> -> memref<1x10240x8xf32, #tpu.memory_space<hbm>>
      %dma_start3A_171 = tpu.memref_squeeze %dma_start3A_170 : memref<1x10240x8xf32, #tpu.memory_space<hbm>> -> memref<10240x8xf32, #tpu.memory_space<hbm>>
      %dma_start3A_172 = arith.constant 0 : i32
      %dma_start3A_173 = tpu.memref_slice %dma_start3A_171[%mul3A_80, %dma_start3A_172] : memref<10240x8xf32, #tpu.memory_space<hbm>> -> memref<640x8xf32, #tpu.memory_space<hbm>>
      tpu.enqueue_dma source(%arg9 : memref<640x8xf32, #tpu.memory_space<vmem>>) target(%dma_start3A_173 : memref<640x8xf32, #tpu.memory_space<hbm>>) target_semaphore(%run_scoped3A_161 : memref<!tpu.dma_semaphore, #tpu.memory_space<semaphore_mem>>)
      %dma_wait3A_174 = arith.constant 0 : i32
      %dma_wait3A_175 = arith.constant 0 : i32
      %dma_wait3A_176 = tpu.memref_slice %arg5[%arg0, %dma_wait3A_174, %dma_wait3A_175] : memref<2x10240x8xf32, #tpu.memory_space<hbm>> -> memref<1x10240x8xf32, #tpu.memory_space<hbm>>
      %dma_wait3A_177 = tpu.memref_squeeze %dma_wait3A_176 : memref<1x10240x8xf32, #tpu.memory_space<hbm>> -> memref<10240x8xf32, #tpu.memory_space<hbm>>
      %dma_wait3A_178 = arith.constant 0 : i32
      %dma_wait3A_179 = tpu.memref_slice %dma_wait3A_177[%mul3A_80, %dma_wait3A_178] : memref<10240x8xf32, #tpu.memory_space<hbm>> -> memref<640x8xf32, #tpu.memory_space<hbm>>
      %dma_wait3A_180 = arith.constant 0 : i32
      %dma_wait3A_181 = arith.constant 0 : i32
      %dma_wait3A_182 = tpu.memref_slice %arg5[%arg0, %dma_wait3A_180, %dma_wait3A_181] : memref<2x10240x8xf32, #tpu.memory_space<hbm>> -> memref<1x10240x8xf32, #tpu.memory_space<hbm>>
      %dma_wait3A_183 = tpu.memref_squeeze %dma_wait3A_182 : memref<1x10240x8xf32, #tpu.memory_space<hbm>> -> memref<10240x8xf32, #tpu.memory_space<hbm>>
      %dma_wait3A_184 = arith.constant 0 : i32
      %dma_wait3A_185 = tpu.memref_slice %dma_wait3A_183[%mul3A_80, %dma_wait3A_184] : memref<10240x8xf32, #tpu.memory_space<hbm>> -> memref<640x8xf32, #tpu.memory_space<hbm>>
      tpu.wait_dma2 semaphore(%run_scoped3A_161 : memref<!tpu.dma_semaphore, #tpu.memory_space<semaphore_mem>>) src(%arg9 : memref<640x8xf32, #tpu.memory_space<vmem>>) dst(%dma_wait3A_185 : memref<640x8xf32, #tpu.memory_space<hbm>>)
      tpu.yield
    }) : () -> ()
    return
  }
}

module attributes {stable_mosaic.version = 14 : i64} {
  func.func @_pre_body(%arg0: i32, %arg1: memref<1000x128xf32, #tpu.memory_space<vmem>>, %arg2: memref<128x8xf32, #tpu.memory_space<vmem>>, %arg3: memref<1x8xf32, #tpu.memory_space<vmem>>, %arg4: memref<1000x8xf32, #tpu.memory_space<vmem>>) attributes {dimension_semantics = [#tpu.dimension_semantics<arbitrary>], iteration_bounds = array<i64: 10>, scalar_prefetch = 0 : i64, scratch_operands = 0 : i64, tpu.core_type = #tpu.core_type<tc>, window_params = [{transform_indices = @transform_0, window_bounds = array<i64: 1000, 128>}, {pipeline_mode = #tpu.pipeline_mode<synchronous>, transform_indices = @transform_1, window_bounds = array<i64: 128, 8>}, {pipeline_mode = #tpu.pipeline_mode<synchronous>, transform_indices = @transform_2, window_bounds = array<i64: 1, 8>}, {transform_indices = @transform_3, window_bounds = array<i64: 1000, 8>}]} {
    %get3A = arith.constant 0 : index
    %get3A_0 = arith.constant 0 : index
    %get3A_1 = vector.load %arg1[%get3A, %get3A_0] : memref<1000x128xf32, #tpu.memory_space<vmem>>, vector<1000x128xf32>
    %get3A_2 = arith.constant 0 : index
    %get3A_3 = arith.constant 0 : index
    %get3A_4 = vector.load %arg2[%get3A_2, %get3A_3] : memref<128x8xf32, #tpu.memory_space<vmem>>, vector<128x8xf32>
    %dot_general3A = arith.constant dense<0.000000e+00> : vector<1000x8xf32>
    %dot_general3A_5 = tpu.matmul %get3A_1, %get3A_4, %dot_general3A {dimension_numbers = #tpu.dot_dimension_numbers<[1], [0], [0], [1], [0, 0, 1, 1], [], []>, transpose_lhs_hint = false} : vector<1000x128xf32>, vector<128x8xf32>, vector<1000x8xf32> -> vector<1000x8xf32>
    %get3A_6 = arith.constant 0 : index
    %get3A_7 = arith.constant 0 : index
    %get3A_8 = vector.load %arg3[%get3A_6, %get3A_7] : memref<1x8xf32, #tpu.memory_space<vmem>>, vector<1x8xf32>
    %add3A = vector.broadcast %get3A_8 : vector<1x8xf32> to vector<1000x8xf32>
    %add3A_9 = arith.addf %dot_general3A_5, %add3A : vector<1000x8xf32>
    %swap3A = arith.constant 0 : index
    %swap3A_10 = arith.constant 0 : index
    %swap3A_11 = vector.load %arg4[%swap3A, %swap3A_10] : memref<1000x8xf32, #tpu.memory_space<vmem>>, vector<1000x8xf32>
    tpu.vector_store %arg4[%swap3A, %swap3A_10], %add3A_9 {strides = array<i32>} : memref<1000x8xf32, #tpu.memory_space<vmem>>, vector<1000x8xf32>,
    return
  }
  func.func @transform_0(%arg0: i32) -> (i32, i32) {
    %c0_i32 = arith.constant 0 : i32
    %c0_i32_0 = arith.constant 0 : i32
    return %arg0, %c0_i32 : i32, i32
  }
  func.func @transform_1(%arg0: i32) -> (i32, i32) {
    %c0_i32 = arith.constant 0 : i32
    %c0_i32_0 = arith.constant 0 : i32
    %c0_i32_1 = arith.constant 0 : i32
    return %c0_i32, %c0_i32_0 : i32, i32
  }
  func.func @transform_2(%arg0: i32) -> (i32, i32) {
    %c0_i32 = arith.constant 0 : i32
    %c0_i32_0 = arith.constant 0 : i32
    %c0_i32_1 = arith.constant 0 : i32
    return %c0_i32, %c0_i32_0 : i32, i32
  }
  func.func @transform_3(%arg0: i32) -> (i32, i32) {
    %c0_i32 = arith.constant 0 : i32
    %c0_i32_0 = arith.constant 0 : i32
    return %arg0, %c0_i32 : i32, i32
  }
}

module attributes {stable_mosaic.version = 14 : i64} {
  func.func @_epi_body(%arg0: i32, %arg1: memref<2x1000x8xf32, #tpu.memory_space<vmem>>, %arg2: memref<1000x8xf32, #tpu.memory_space<vmem>>, %arg3: memref<3x16xf32, #tpu.memory_space<vmem>>, %arg4: memref<1x16xf32, #tpu.memory_space<vmem>>, %arg5: memref<1000x3xf32, #tpu.memory_space<vmem>>, %arg6: memref<1000x16xf32, #tpu.memory_space<vmem>>) attributes {dimension_semantics = [#tpu.dimension_semantics<arbitrary>], iteration_bounds = array<i64: 10>, scalar_prefetch = 0 : i64, scratch_operands = 0 : i64, tpu.core_type = #tpu.core_type<tc>, window_params = [{transform_indices = @transform_0, window_bounds = array<i64: 2, 1000, 8>}, {transform_indices = @transform_1, window_bounds = array<i64: 1000, 8>}, {pipeline_mode = #tpu.pipeline_mode<synchronous>, transform_indices = @transform_2, window_bounds = array<i64: 3, 16>}, {pipeline_mode = #tpu.pipeline_mode<synchronous>, transform_indices = @transform_3, window_bounds = array<i64: 1, 16>}, {transform_indices = @transform_4, window_bounds = array<i64: 1000, 3>}, {transform_indices = @transform_5, window_bounds = array<i64: 1000, 16>}]} {
    %get3A = arith.constant 0 : index
    %get3A_0 = arith.constant 0 : index
    %get3A_1 = arith.constant 0 : index
    %get3A_2 = vector.load %arg1[%get3A, %get3A_0, %get3A_1] : memref<2x1000x8xf32, #tpu.memory_space<vmem>>, vector<1x1000x8xf32>
    %get3A_3 = vector.shape_cast %get3A_2 : vector<1x1000x8xf32> to vector<1000x8xf32>
    %get3A_4 = arith.constant 1 : index
    %get3A_5 = arith.constant 0 : index
    %get3A_6 = arith.constant 0 : index
    %get3A_7 = vector.load %arg1[%get3A_4, %get3A_5, %get3A_6] : memref<2x1000x8xf32, #tpu.memory_space<vmem>>, vector<1x1000x8xf32>
    %get3A_8 = vector.shape_cast %get3A_7 : vector<1x1000x8xf32> to vector<1000x8xf32>
    %add3A = arith.addf %get3A_3, %get3A_8 : vector<1000x8xf32>
    %slice3A = vector.extract_strided_slice %add3A {offsets = [0, 0], sizes = [1000, 3], strides = [1, 1]} : vector<1000x8xf32> to vector<1000x3xf32>
    %slice3A_9 = vector.extract_strided_slice %add3A {offsets = [0, 3], sizes = [1000, 1], strides = [1, 1]} : vector<1000x8xf32> to vector<1000x1xf32>
    %max3A = arith.constant 1.000000e+00 : f32
    %max3A_10 = vector.broadcast %max3A : f32 to vector<1000x1xf32>
    %max3A_11 = arith.maximumf %slice3A_9, %max3A_10 : vector<1000x1xf32>
    %div3A = vector.broadcast %max3A_11 : vector<1000x1xf32> to vector<1000x3xf32>
    %div3A_12 = arith.divf %slice3A, %div3A : vector<1000x3xf32>
    %get3A_13 = arith.constant 0 : index
    %get3A_14 = arith.constant 4 : index
    %get3A_15 = vector.load %arg2[%get3A_13, %get3A_14] : memref<1000x8xf32, #tpu.memory_space<vmem>>, vector<1000x3xf32>
    %add3A_16 = arith.addf %get3A_15, %div3A_12 : vector<1000x3xf32>
    %max3A_17 = arith.constant 0.000000e+00 : f32
    %max3A_18 = vector.broadcast %max3A_17 : f32 to vector<1000x3xf32>
    %max3A_19 = arith.maximumf %add3A_16, %max3A_18 : vector<1000x3xf32>
    %get3A_20 = arith.constant 0 : index
    %get3A_21 = arith.constant 0 : index
    %get3A_22 = vector.load %arg3[%get3A_20, %get3A_21] : memref<3x16xf32, #tpu.memory_space<vmem>>, vector<3x16xf32>
    %dot_general3A = arith.constant dense<0.000000e+00> : vector<1000x16xf32>
    %dot_general3A_23 = tpu.matmul %max3A_19, %get3A_22, %dot_general3A {dimension_numbers = #tpu.dot_dimension_numbers<[1], [0], [0], [1], [0, 0, 1, 1], [], []>, transpose_lhs_hint = false} : vector<1000x3xf32>, vector<3x16xf32>, vector<1000x16xf32> -> vector<1000x16xf32>
    %get3A_24 = arith.constant 0 : index
    %get3A_25 = arith.constant 0 : index
    %get3A_26 = vector.load %arg4[%get3A_24, %get3A_25] : memref<1x16xf32, #tpu.memory_space<vmem>>, vector<1x16xf32>
    %add3A_27 = vector.broadcast %get3A_26 : vector<1x16xf32> to vector<1000x16xf32>
    %add3A_28 = arith.addf %dot_general3A_23, %add3A_27 : vector<1000x16xf32>
    %swap3A = arith.constant 0 : index
    %swap3A_29 = arith.constant 0 : index
    %swap3A_30 = vector.load %arg5[%swap3A, %swap3A_29] : memref<1000x3xf32, #tpu.memory_space<vmem>>, vector<1000x3xf32>
    tpu.vector_store %arg5[%swap3A, %swap3A_29], %max3A_19 {strides = array<i32>} : memref<1000x3xf32, #tpu.memory_space<vmem>>, vector<1000x3xf32>,
    %swap3A_31 = arith.constant 0 : index
    %swap3A_32 = arith.constant 0 : index
    %swap3A_33 = vector.load %arg6[%swap3A_31, %swap3A_32] : memref<1000x16xf32, #tpu.memory_space<vmem>>, vector<1000x16xf32>
    tpu.vector_store %arg6[%swap3A_31, %swap3A_32], %add3A_28 {strides = array<i32>} : memref<1000x16xf32, #tpu.memory_space<vmem>>, vector<1000x16xf32>,
    return
  }
  func.func @transform_0(%arg0: i32) -> (i32, i32, i32) {
    %c0_i32 = arith.constant 0 : i32
    %c0_i32_0 = arith.constant 0 : i32
    %c0_i32_1 = arith.constant 0 : i32
    return %c0_i32, %arg0, %c0_i32_0 : i32, i32, i32
  }
  func.func @transform_1(%arg0: i32) -> (i32, i32) {
    %c0_i32 = arith.constant 0 : i32
    %c0_i32_0 = arith.constant 0 : i32
    return %arg0, %c0_i32 : i32, i32
  }
  func.func @transform_2(%arg0: i32) -> (i32, i32) {
    %c0_i32 = arith.constant 0 : i32
    %c0_i32_0 = arith.constant 0 : i32
    %c0_i32_1 = arith.constant 0 : i32
    return %c0_i32, %c0_i32_0 : i32, i32
  }
  func.func @transform_3(%arg0: i32) -> (i32, i32) {
    %c0_i32 = arith.constant 0 : i32
    %c0_i32_0 = arith.constant 0 : i32
    %c0_i32_1 = arith.constant 0 : i32
    return %c0_i32, %c0_i32_0 : i32, i32
  }
  func.func @transform_4(%arg0: i32) -> (i32, i32) {
    %c0_i32 = arith.constant 0 : i32
    %c0_i32_0 = arith.constant 0 : i32
    return %arg0, %c0_i32 : i32, i32
  }
  func.func @transform_5(%arg0: i32) -> (i32, i32) {
    %c0_i32 = arith.constant 0 : i32
    %c0_i32_0 = arith.constant 0 : i32
    return %arg0, %c0_i32 : i32, i32
  }
}

</mosaic_0001>

<sc_bundles>
// kernel: kernel.5.cloned.1.call-start
scs
__scs_entry_jumppad:
0x0: {  	(pc) =	sbr.rel $0x88, $3  }
0x1: {  	(tag) =	ssettag $0x0;
	lr =	simm.s32 $0x1  }
0x2: {  	[smem:$0x3F9A] =	sst lr;
	_ =	strace $0xD0000000  }
0x3: {  	_ = 	snop  }
0x4: {  	_ = 	snop  }
0x5: {  	_ = 	snop  }
0x6: {  	_ = 	snop  }
0x7: {  	_ = 	snop  }
__scs_overlays_trampoline_lowered:
0x8: {  	[smem:$0x3FA9] =	sst s0  }
0x9: {  	[smem:$0x3FAA] =	sst s1  }
0xa: {  	[smem:$0x3FAB] =	sst s2  }
0xb: {  	[smem:$0x3FAC] =	sst s3  }
0xc: {  	[smem:$0x3FAD] =	sst s4  }
0xd: {  	[smem:$0x3FAE] =	sst s5  }
0xe: {  	[smem:$0x3FAF] =	sst s6  }
0xf: {  	[smem:$0x3FB0] =	sst s7  }
0x10: {  	[smem:$0x3FB1] =	sst s8  }
0x11: {  	[smem:$0x3FB2] =	sst s9;
	s0 =	simm.s32 @!p0 $0x0  }
0x12: {  	s1 =	sld [smem:$0x3F98];
	s0 =	simm.s32 @p0 $0x1  }
0x13: {  	[smem:$0x3FB3] =	sst s0;
	s0 =	simm.s32 @!p1 $0x0  }
0x14: {  	s2 =	sld [smem:$0x3F97];
	s0 =	simm.s32 @p1 $0x1  }
0x15: {  	[smem:$0x3FB4] =	sst s0;
	s0 =	simm.s32 @!p2 $0x0  }
0x16: {  	s3 =	sld [smem:$0x3FDB];
	s0 =	simm.s32 @p2 $0x1  }
0x17: {  	s4 =	simm.s32 $0x1BF5;
	[smem:$0x3FB6] =	sst s0  }
0x18: {  	s0 =	sld [smem:$0x3F99];
	_ =	swait.ge [sflag:s4], $0x0  }
0x19: {  	s7 =	sld [smem:$0x3F9A]  }
0x1a: {  	s8 =	sadd.s32 $0xFFFFE003, lr  }
0x1b: {  	s9 =	sadd.s32 $0xFFFFFEF7, lr;
	s5 =	simm.s32 $0xFFFFFFFF;
	p2 =	slt.u32 s8, $0xFFFFF086  }
0x1c: {  	p1 =	slt.u32 s9, $0xF7A;
	s5 =	simm.s32 @!p2 $0x0  }
0x1d: {  	s5 =	simm.s32 @p1 $0x1;
	p0 =	seq.s32 s7, s2  }
0x1e: {  	s7 =	smul.u32 @!p0 $0xF7A, s2;
	p2 =	seq.s32 @!p0 s5, $0x0  }
0x1f: {  	s9 =	smul.u32 $0xF7A, s1;
	s8 =	simm.s32 @!p0 $0x1BF5;
	p2 =	por !p2, p0  }
0x20: {  	[sflag:s8] =	ssyncset.s32 @!p0 $0xFFFFF086;
	s6 =	sadd.s32 @!p0 s3, s7;
	s7 =	simm.s32 @!p0 $0x108  }
0x21: {  	s3 =	sadd.s32 s3, s9;
	s6 =	sadd.s32 @!p0 $0x88, s6;
	s7 =	simm.s32 @p2 $0x1082  }
0x22: {  	[simem:s7], [sflag:s8] =	dma.local @!p0 [hbm:s6], $0xF7A  }
0x23: {  	s9 =	sor.u32 $0xD0000000, s2;
	s6 =	simm.s32 $0x108;
	_ =	swait.ge @!p0 [sflag:s8], $0x0  }
0x24: {  	s3 =	sadd.s32 $0x88, s3;
	s6 =	simm.s32 @!p1 $0x1082;
	[sflag:s4] =	ssyncset.s32 $0xFFFFF086  }
0x25: {  	[simem:s6], [sflag:s4] =	dma.local [hbm:s3], $0xF7A  }
0x26: {  	[smem:$0x3F9A] =	sst s1;
	(tag) =	ssettag s2;
	_ =	strace s9  }
0x27: {  	s1 =	sld [smem:$0x3FAA]  }
0x28: {  	s2 =	sld [smem:$0x3FAB]  }
0x29: {  	s4 =	sld [smem:$0x3FAD]  }
0x2a: {  	p0 =	seq.s32 s5, $0x0;
	s5 =	sld [smem:$0x3FAE]  }
0x2b: {  	s6 =	sld [smem:$0x3FAF]  }
0x2c: {  	s7 =	sld [smem:$0x3FB0]  }
0x2d: {  	s3 =	simm.s32 $0x108;
	s8 =	sld [smem:$0x3FB1]  }
0x2e: {  	s3 =	simm.s32 @!p0 $0x1082;
	s9 =	sld [smem:$0x3FB2]  }
0x2f: {  	lr =	sadd.s32 s0, s3;
	s0 =	sld [smem:$0x3FA9]  }
0x30: {  	s3 =	sld [smem:$0x3FAC]  }
0x31: {  	[smem:$0x3FB5] =	sst s10  }
0x32: {  	s10 =	sld [smem:$0x3FB3];
	_ =	sdelay $0x3  }
0x33: {  	p0 =	seq.s32 s10, $0x1;
	s10 =	sld [smem:$0x3FB5];
	_ =	sdelay $0x3  }
0x34: {  	[smem:$0x3FB5] =	sst s10  }
0x35: {  	s10 =	sld [smem:$0x3FB4];
	_ =	sdelay $0x3  }
0x36: {  	p1 =	seq.s32 s10, $0x1;
	s10 =	sld [smem:$0x3FB5];
	_ =	sdelay $0x3  }
0x37: {  	[smem:$0x3FB5] =	sst s10  }
0x38: {  	s10 =	sld [smem:$0x3FB6]  }
0x39: {  	_ = 	snop;
	(pc) =	sbr.ind lr, $3  }
0x3a: {  	_ = 	snop  }
0x3b: {  	_ = 	snop  }
0x3c: {  	p2 =	seq.s32 s10, $0x1;
	s10 =	sld [smem:$0x3FB5]  }
0x3d: {  	_ =	shalt  }
0x3e: {  	_ =	shalt  }
0x3f: {  	_ =	shalt  }
0x40: {  	_ =	shalt  }
0x41: {  	_ =	shalt  }
0x42: {  	_ =	shalt  }
0x43: {  	_ =	shalt  }
0x44: {  	_ =	shalt  }
0x45: {  	_ =	shalt  }
0x46: {  	_ =	shalt  }
0x47: {  	_ =	shalt  }
0x48: {  	_ =	shalt  }
0x49: {  	_ =	shalt  }
0x4a: {  	_ =	shalt  }
0x4b: {  	_ =	shalt  }
0x4c: {  	_ =	shalt  }
0x4d: {  	_ =	shalt  }
0x4e: {  	_ =	shalt  }
0x4f: {  	_ =	shalt  }
0x50: {  	_ =	shalt  }
0x51: {  	_ =	shalt  }
0x52: {  	_ =	shalt  }
0x53: {  	_ =	shalt  }
0x54: {  	_ =	shalt  }
0x55: {  	_ =	shalt  }
0x56: {  	_ =	shalt  }
0x57: {  	_ =	shalt  }
0x58: {  	_ =	shalt  }
0x59: {  	_ =	shalt  }
0x5a: {  	_ =	shalt  }
0x5b: {  	_ =	shalt  }
0x5c: {  	_ =	shalt  }
0x5d: {  	_ =	shalt  }
0x5e: {  	_ =	shalt  }
0x5f: {  	_ =	shalt  }
0x60: {  	_ =	shalt  }
0x61: {  	_ =	shalt  }
0x62: {  	_ =	shalt  }
0x63: {  	_ =	shalt  }
0x64: {  	_ =	shalt  }
0x65: {  	_ =	shalt  }
0x66: {  	_ =	shalt  }
0x67: {  	_ =	shalt  }
0x68: {  	_ =	shalt  }
0x69: {  	_ =	shalt  }
0x6a: {  	_ =	shalt  }
0x6b: {  	_ =	shalt  }
0x6c: {  	_ =	shalt  }
0x6d: {  	_ =	shalt  }
0x6e: {  	_ =	shalt  }
0x6f: {  	_ =	shalt  }
0x70: {  	_ =	shalt  }
0x71: {  	_ =	shalt  }
0x72: {  	_ =	shalt  }
0x73: {  	_ =	shalt  }
0x74: {  	_ =	shalt  }
0x75: {  	_ =	shalt  }
0x76: {  	_ =	shalt  }
0x77: {  	_ =	shalt  }
0x78: {  	_ =	shalt  }
0x79: {  	_ =	shalt  }
0x7a: {  	_ =	shalt  }
0x7b: {  	_ =	shalt  }
0x7c: {  	_ =	shalt  }
0x7d: {  	_ =	shalt  }
0x7e: {  	_ =	shalt  }
0x7f: {  	_ =	shalt  }
0x80: {  	_ =	shalt  }
0x81: {  	_ =	shalt  }
0x82: {  	_ =	shalt  }
0x83: {  	_ =	shalt  }
0x84: {  	_ =	shalt  }
0x85: {  	_ =	shalt  }
0x86: {  	_ =	shalt  }
0x87: {  	_ =	shalt  }
.Lfunc_end0:
.L_simem_size_0:
called_computation_lowered:
.L_overlay_start_0:
0x88: {  	s2 =	sld [smem:$0x3FD9]  }
0x89: {  	s3 =	sld [smem:$0x3FFE];
	_ =	sdelay $0x1  }
0x8a: {  	s1 =	srdreg.scid  }
0x8b: {  	s0 =	sand.u32 $0x1, s1  }
0x8c: {  	s14 =	sshll.u32 s0, $0xA;
	s2 =	sadd.s32 s3, s2  }
0x8d: {  	s2 =	sadd.s32 s2, s14  }
0x8e: {  	[smem:$0x3FC1] =	sst s2  }
0x8f: {  	_ = 	snop  }
0x90: {  	s2 =	sld [smem:$0x3FD0];
	_ =	sdelay $0x2  }
0x91: {  	s15 =	simm.s32 $0xA;
	s4 =	simm.s32 $0x10  }
0x92: {  	[smem:s4], [sflag:s15] =	dma.local [hbm:s2], $0x1  }
0x93: {  	_ =	swait.eq [sflag:s15], $0x1  }
0x94: {  	[sflag:s15] =	ssyncset.done $0x0  }
0x95: {  	[sflag:s15] =	ssyncadd.s32 $0xFFFFFFFF  }
0x96: {  	s16 =	sld [smem:$0x11];
	(tm) =	ssettm $0x1  }
0x97: {  	s17 =	sld [smem:$0x3FFB];
	_ =	sdelay $0x3  }
0x98: {  	_ =	strace s17  }
0x99: {  	s3 =	sld [smem:$0x3FFC];
	_ =	sdelay $0x3  }
0x9a: {  	_ =	strace s3  }
0x9b: {  	s3 =	sld [smem:$0x3FFD];
	_ =	sdelay $0x3  }
0x9c: {  	_ =	strace s3  }
0x9d: {  	_ =	strace $0x8FFFFFFF  }
0x9e: {  	s18 =	sld [smem:$0x3FDB];
	_ =	sdelay $0x1  }
0x9f: {  	s19 =	simm.s32 $_scs_section_size  }
0xa0: {  	s5 =	simm.s32 $_size__tile_overlayer_lowered;
	s6 =	simm.s32 $_tile_overlayer_lowered  }
0xa1: {  	s22 =	simm.s32 $0x1BFF;
	s21 =	sshll.u32 s6, $0x1;
	s3 =	sadd.s32 s19, s18  }
0xa2: {  	s7 =	simm.s32 $0x0;
	s20 =	sshll.u32 s5, $0x1;
	s5 =	sadd.s32 s21, s3  }
0xa3: {  	[timem:s7], [sflag:s22] =	dma.local [hbm:s5], s20  }
0xa4: {  	_ =	swait.ge [sflag:s22], s20  }
0xa5: {  	s4 =	ssub.s32 $0x0, s20;
	[sflag:s22] =	ssyncset.done $0x0  }
0xa6: {  	[sflag:s22] =	ssyncadd.s32 s4;
	_ =	sdelay $0x1  }
0xa7: {  	s23 =	simm.s32 $0x1B8B  }
0xa8: {  	_ =	swait.ge [sflag:s23], $0x1  }
0xa9: {  	[sflag:s23] =	ssyncset.done $0x0  }
0xaa: {  	s25 =	simm.s32 $0x1B8E;
	s24 =	sld [smem:$0x3FFE];
	[sflag:s23] =	ssyncadd.s32 $0xFFFFFFFF  }
0xab: {  	s26 =	simm.s32 $execute0_lowered;
	[smem:$0x3FD2] =	sst s25  }
0xac: {  	s5 =	sshll.u32 s26, $0x1;
	_ =	strace $0x80000046;
	[dreg:$0x1] =	wrdreg $0xFFFFFFFF  }
0xad: {  	s28 =	simm.s32 $_size_execute0_lowered;
	s3 =	sadd.s32 s3, s5;
	[dreg:$0x0] =	wrdreg $0x0  }
0xae: {  	s5 =	sshll.u32 s28, $0x1;
	[dreg:$0x2] =	wrdreg s3  }
0xaf: {  	[dreg:$0x3] =	wrdreg s5  }
0xb0: {  	[dreg:$0x4] =	wrdreg $0xC0  }
0xb1: {  	_ =	task [dreg:s7], $0x5FFFF  }
0xb2: {  	[dreg:$0x1] =	wrdreg $0xFFFFFFFF  }
0xb3: {  	[dreg:$0x0] =	wrdreg $0x60  }
0xb4: {  	[dreg:$0x2] =	wrdreg s24  }
0xb5: {  	[dreg:$0x3] =	wrdreg s16  }
0xb6: {  	[dreg:$0x4] =	wrdreg $0x94000  }
0xb7: {  	[dreg:$0x5] =	wrdreg $0x9  }
0xb8: {  	_ =	task.clear_ibuf [dreg:s7], $0x6FFFF;
	_ =	strace $0x90000046  }
0xb9: {  	s29 =	simm.s32 $0x9;
	_ =	strace $0x80000048  }
0xba: {  	_ =	swait.ge [sflag:s29], $0x1  }
0xbb: {  	[sflag:s29] =	ssyncadd.s32 $0xFFFFFFFF  }
0xbc: {  	_ =	strace $0x90000048  }
0xbd: {  	_ =	sfence  }
0xbe: {  	s30 =	sld [smem:$0x0];
	_ =	sdelay $0x2  }
0xbf: {  	s31 =	sshll.u32 s1, $0xD;
	s1 =	sshrl.u32 s1, $0x2  }
0xc0: {  	s3 =	sand.u32 $0x4000, s31;
	s1 =	sadd.s32 s1, s30  }
0xc1: {  	s0 =	sor.u32 s3, s0;
	s1 =	sshll.u32 s1, $0x11  }
0xc2: {  	s0 =	sor.u32 s1, s0  }
0xc3: {  	s0 =	sadd.s32 $0x8F2B, s0  }
0xc4: {  	[sflag:s0] =	ssyncadd.remote.s32 $0x1  }
0xc5: {  	_ =	sfence.sel $0xFFFF  }
0xc6: {  	[dreg:$0x0] =	wrdreg $0xFFFFFFFF;
	(pc) =	sbr.abs _section_cstart, $3  }
0xc7: {  	[dreg:$0x1] =	wrdreg $0xFFFFFFFF  }
0xc8: {  	_ =	task.clear_ibuf [dreg:s7], $0x2FFFF;
	_ =	strace $0x9FFFFFFF  }
0xc9: {  	(tm) =	ssettm $0x7FFFFFFF  }
tec
execute0_lowered:
.L_overlay_start_1:
0x0: {  	(tag) =	ssettag $0x1  }
0x1: {  	s0 =	rddreg [dreg:$0x0];
	s1 =	srdreg.scid  }
0x2: {  	s3 =	rddreg [dreg:$0x2];
	s9 =	stileid.u32  }
0x3: {  	s4 =	simm.s32 $0x0;
	s16 =	simm.s32 $0x2;
	s18 =	simm.s32 $0x80  }
0x4: {  	s19 =	simm.s32 $0x5000;
	s20 =	simm.s32 $0x5400;
	s21 =	simm.s32 $0x1  }
0x5: {  	s22 =	simm.s32 $0x3;
	s23 =	simm.s32 $0x7;
	s25 =	simm.s32 $0x4  }
0x6: {  	s29 =	simm.s32 $0x5800;
	s30 =	simm.s32 $0x6C00;
	s31 =	simm.s32 $0x8000  }
0x7: {  	s1 =	sand.u32 $0x1, s1;
	[smem:$0x7FF] =	sst s4;
	s5 =	sadd.s32 $0x15400, s0  }
0x8: {  	s7 =	smul.u32 $0x50000, s9;
	s26 =	sshll.u32 s9, $0x6;
	s2 =	sshll.u32 s1, $0x4  }
0x9: {  	s6 =	smul.u32 $0x2800, s1;
	s1 =	ssub.s32 $0x2, s1;
	s2 =	sor.u32 s9, s2  }
0xa: {  	_ =	strace $0x80000047;
	s8 =	sshrl.u32 s1, $0x1;
	s2 =	smul.u32 $0x2800, s2  }
0xb: {  	s7 =	sshrl.u32 s7, $0x2;
	s1 =	ssub.s32 s1, s8;
	s8 =	sor.u32 $0x1C01, s26  }
0xc: {  	s7 =	sadd.s32 s7, s3;
	[dreg:$0x4] =	wrdreg s8;
	s2 =	sshrl.u32 s2, $0x3  }
0xd: {  	s2 =	sadd.s32 s2, s0;
	s0 =	sadd.s32 s6, s0;
	s6 =	smul.u32 $0x1400, s9  }
0xe: {  	s14 =	smax.u32 s1, $0x1;
	s15 =	sshrl.u32 s7, $0x3;
	s1 =	simm.s32 $0x0  }
0xf: {  	v1 =	vlaneseq.u32;
	s9 =	sadd.s32 $0x1400, s2;
	s11 =	sadd.s32 $0xB400, s2;
	s10 =	sadd.s32 s6, s3  }
0x10: {  	v0 =	vshrl.u32 v1, $0x3;
	s0 =	sadd.s32 $0x17C00, s0;
	s28 =	sshrl.u32 s6, $0x3;
	s12 =	sadd.s32 $0x14000, s10  }
0x11: {  	v1 =	vand.u32 $0x7, v1;
	v0 =	vmul.u32 $0x8, v0;
	s13 =	sadd.s32 $0x28000, s10;
	s24 =	sadd.s32 s28, s0;
	s0 =	simm.s32 $0x5  }
.LBB2_1:
0x12: {  	s2 =	rddreg [dreg:$0x1]  }
0x13: {  	s8 =	rddreg [dreg:$0x4]  }
0x14: {  	[spmem:s15], [sflag:s8] =	dma.local [hbm:s2], $0x2800  }
0x15: {  	[tilespmem:s4], [sflag:$0x2] =	stream.linear.gather [hbm4b:s9+s4], $0x2800, $0x38;
	[tilespmem:$0x1D400] =	vst v63  }
0x16: {  	_ =	swait.ge [sflag:s16], $0x2800  }
0x17: {  	[sflag:s16] =	ssyncset.done $0x0  }
0x18: {  	s8 =	simm.s32 $0x2800;
	[sflag:s16] =	ssyncadd.s32 $0xFFFFD800  }
0x19: {  	[tilespmem:s8], [sflag:$0x2] =	stream.linear.gather [hbm4b:s11+s4], $0x2800, $0x38;
	[tilespmem:$0x1D400] =	vst v63  }
0x1a: {  	_ =	swait.ge [sflag:s16], $0x2800  }
0x1b: {  	[sflag:s16] =	ssyncset.done $0x0  }
0x1c: {  	[sflag:s16] =	ssyncadd.s32 $0xFFFFD800  }
0x1d: {  	[tilespmem:s19], [sflag:$0x3] =	stream.indirect.gather [hbm4b:s5+s18], $0x8, s4, s18, $0xb8;
	[tilespmem:$0x1D400] =	vst v63  }
0x1e: {  	_ = 	snop  }
0x1f: {  	[tilespmem:s20], [sflag:$0x4] =	stream.indirect.gather [hbm4b:s5+s18], $0x8, s18, s18, $0xb8;
	[tilespmem:$0x1D400] =	vst v63  }
0x20: {  	_ =	swait.ge [sflag:s21], $0x2800  }
0x21: {  	[sflag:s21] =	ssyncset.done $0x0  }
0x22: {  	[sflag:s21] =	ssyncadd.s32 $0xFFFFD800  }
0x23: {  	_ =	swait.ge [sflag:s22], $0x400  }
0x24: {  	[sflag:s22] =	ssyncset.done $0x0  }
0x25: {  	s17 =	simm.s32 $0x2800;
	[sflag:s22] =	ssyncadd.s32 $0xFFFFFC00  }
0x26: {  	[spmem:s7] =	stream.indirect.scatter.add.f32 [tilespmem:s19], [sflag:$0x7], $0x8, s17, s18, $0xb8;
	[tilespmem:$0x1D400] =	vst v63  }
0x27: {  	_ =	swait.ge [sflag:s23], $0x400  }
0x28: {  	[sflag:s23] =	ssyncset.done $0x0  }
0x29: {  	s26 =	simm.s32 $0x100;
	[sflag:s23] =	ssyncadd.s32 $0xFFFFFC00  }
0x2a: {  	[tilespmem:s19], [sflag:$0x3] =	stream.indirect.gather [hbm4b:s5+s18], $0x8, s26, s18, $0xb8;
	[tilespmem:$0x1D400] =	vst v63  }
0x2b: {  	_ =	swait.ge [sflag:s25], $0x400  }
0x2c: {  	[sflag:s25] =	ssyncset.done $0x0  }
0x2d: {  	s28 =	simm.s32 $0x2880;
	[sflag:s25] =	ssyncadd.s32 $0xFFFFFC00  }
0x2e: {  	[spmem:s7] =	stream.indirect.scatter.add.f32 [tilespmem:s20], [sflag:$0x7], $0x8, s28, s18, $0xb8;
	[tilespmem:$0x1D400] =	vst v63  }
0x2f: {  	_ =	swait.ge [sflag:s23], $0x400  }
0x30: {  	[sflag:s23] =	ssyncset.done $0x0  }
0x31: {  	s2 =	simm.s32 $0x400;
	s17 =	simm.s32 $0x180;
	[sflag:s23] =	ssyncadd.s32 $0xFFFFFC00  }
.LBB2_2:
0x32: {  	[tilespmem:s20], [sflag:$0x4] =	stream.indirect.gather [hbm4b:s5+s18], $0x8, s17, s18, $0xb8;
	[tilespmem:$0x1D400] =	vst v63  }
0x33: {  	s17 =	smov.u32 s2  }
0x34: {  	p0 =	sne.s32 s2, $0x9800;
	s2 =	sadd.s32 $0x400, s2;
	_ =	swait.ge [sflag:s22], $0x400  }
0x35: {  	s17 =	sshra.s32 s17, $0x2;
	[sflag:s22] =	ssyncset.done $0x0  }
0x36: {  	s26 =	sadd.s32 $0x2800, s17;
	[sflag:s22] =	ssyncadd.s32 $0xFFFFFC00  }
0x37: {  	[spmem:s7] =	stream.indirect.scatter.add.f32 [tilespmem:s19], [sflag:$0x7], $0x8, s26, s18, $0xb8;
	[tilespmem:$0x1D400] =	vst v63  }
0x38: {  	_ =	swait.ge [sflag:s23], $0x400  }
0x39: {  	[sflag:s23] =	ssyncset.done $0x0  }
0x3a: {  	s26 =	sadd.s32 $0x100, s17;
	[sflag:s23] =	ssyncadd.s32 $0xFFFFFC00  }
0x3b: {  	[tilespmem:s19], [sflag:$0x3] =	stream.indirect.gather [hbm4b:s5+s18], $0x8, s26, s18, $0xb8;
	[tilespmem:$0x1D400] =	vst v63  }
0x3c: {  	_ =	swait.ge [sflag:s25], $0x400  }
0x3d: {  	[sflag:s25] =	ssyncset.done $0x0  }
.Ltmp0:
0x3e: {  	s26 =	sadd.s32 $0x2880, s17;
	[sflag:s25] =	ssyncadd.s32 $0xFFFFFC00;
	(pc) =	sbr.rel @p0 .LBB2_2-.Ltmp0, $4  }
0x3f: {  	[spmem:s7] =	stream.indirect.scatter.add.f32 [tilespmem:s20], [sflag:$0x7], $0x8, s26, s18, $0xb8;
	[tilespmem:$0x1D400] =	vst v63  }
0x40: {  	_ =	swait.ge [sflag:s23], $0x400  }
0x41: {  	[sflag:s23] =	ssyncset.done $0x0  }
0x42: {  	s17 =	sadd.s32 $0x180, s17;
	[sflag:s23] =	ssyncadd.s32 $0xFFFFFC00  }
0x43: {  	[tilespmem:s20], [sflag:$0x4] =	stream.indirect.gather [hbm4b:s5+s18], $0x8, s17, s18, $0xb8;
	[tilespmem:$0x1D400] =	vst v63  }
0x44: {  	_ =	swait.ge [sflag:s22], $0x400  }
0x45: {  	[sflag:s22] =	ssyncset.done $0x0  }
0x46: {  	s2 =	simm.s32 $0x4F00;
	[sflag:s22] =	ssyncadd.s32 $0xFFFFFC00  }
0x47: {  	[spmem:s7] =	stream.indirect.scatter.add.f32 [tilespmem:s19], [sflag:$0x7], $0x8, s2, s18, $0xb8;
	[tilespmem:$0x1D400] =	vst v63  }
0x48: {  	_ =	swait.ge [sflag:s23], $0x400  }
0x49: {  	[sflag:s23] =	ssyncset.done $0x0  }
0x4a: {  	[sflag:s23] =	ssyncadd.s32 $0xFFFFFC00  }
0x4b: {  	_ =	swait.ge [sflag:s25], $0x400  }
0x4c: {  	[sflag:s25] =	ssyncset.done $0x0  }
0x4d: {  	s28 =	simm.s32 $0x4F80;
	[sflag:s25] =	ssyncadd.s32 $0xFFFFFC00  }
0x4e: {  	[spmem:s7] =	stream.indirect.scatter.add.f32 [tilespmem:s20], [sflag:$0x7], $0x8, s28, s18, $0xb8;
	[tilespmem:$0x1D400] =	vst v63  }
0x4f: {  	_ =	swait.ge [sflag:s23], $0x400  }
0x50: {  	[sflag:s23] =	ssyncset.done $0x0  }
0x51: {  	[sflag:s23] =	ssyncadd.s32 $0xFFFFFC00  }
0x52: {  	[bflag:$0x0] =	sbarrier.arrive $0xFFFF  }
0x53: {  	[tilespmem:s29], [sflag:$0x7] =	stream.linear.gather [spmem:s10], $0x1400, $0x38;
	[tilespmem:$0x1D400] =	vst v63  }
0x54: {  	_ =	swait.ge [sflag:s23], $0x1400  }
0x55: {  	[sflag:s23] =	ssyncset.done $0x0  }
0x56: {  	[sflag:s23] =	ssyncadd.s32 $0xFFFFEC00  }
0x57: {  	[tilespmem:s30], [sflag:$0x5] =	stream.linear.gather [spmem:s12], $0x1400, $0x38;
	[tilespmem:$0x1D400] =	vst v63  }
0x58: {  	s2 =	simm.s32 $0x0  }
0x59: {  	[tilespmem:s31], [sflag:$0x6] =	stream.linear.gather [spmem:s13], $0x1400, $0x38;
	[tilespmem:$0x1D400] =	vst v63  }
.LBB2_4:
0x5a: {  	s17 =	simm.s32 $0x0  }
0x5b: {  	v2 =	vmov s17  }
0x5c: {  	v2 =	vshll.u32 v2, $0x3  }
0x5d: {  	v2 =	vor.u32 v0, v2  }
0x5e: {  	v2 =	vor.u32 v1, v2;
	_ =	sdelay $0x1  }
0x5f: {  	_ =	swait.ge [sflag:s0], $0x1400  }
0x60: {  	[sflag:s0] =	ssyncset.done $0x0  }
0x61: {  	[sflag:s0] =	ssyncadd.s32 $0xFFFFEC00  }
0x62: {  	s28 =	simm.s32 $0x2;
	v3 =	vld.idx.msk [tilespmem:v2+s30+$0x0], $0xffff  }
0x63: {  	v5 =	vmov s28;
	v4 =	vld.idx.msk [tilespmem:v2+s29+$0x0], $0xffff  }
0x64: {  	v5 =	vshll.u32 v5, $0x3  }
0x65: {  	v5 =	vor.u32 v0, v5  }
0x66: {  	v5 =	vor.u32 v1, v5;
	_ =	sdelay $0x1  }
0x67: {  	v3 =	vadd.f32 v4, v3;
	_ =	sdelay $0x1  }
0x68: {  	[tilespmem:v2+s29+$0x0] =	vst.idx.msk $0xffff, v3  }
0x69: {  	s8 =	simm.s32 $0x4;
	v2 =	vld.idx.msk [tilespmem:v5+s30+$0x0], $0xffff  }
0x6a: {  	v4 =	vmov s8;
	v3 =	vld.idx.msk [tilespmem:v5+s29+$0x0], $0xffff  }
0x6b: {  	v4 =	vshll.u32 v4, $0x3  }
0x6c: {  	v4 =	vor.u32 v0, v4  }
0x6d: {  	v4 =	vor.u32 v1, v4;
	_ =	sdelay $0x1  }
0x6e: {  	v2 =	vadd.f32 v3, v2;
	_ =	sdelay $0x1  }
0x6f: {  	[tilespmem:v5+s29+$0x0] =	vst.idx.msk $0xffff, v2  }
0x70: {  	s26 =	simm.s32 $0x6;
	v3 =	vld.idx.msk [tilespmem:v4+s30+$0x0], $0xffff  }
0x71: {  	v2 =	vmov s26;
	v5 =	vld.idx.msk [tilespmem:v4+s29+$0x0], $0xffff  }
0x72: {  	v2 =	vshll.u32 v2, $0x3  }
0x73: {  	v2 =	vor.u32 v0, v2  }
0x74: {  	v2 =	vor.u32 v1, v2;
	_ =	sdelay $0x1  }
0x75: {  	v3 =	vadd.f32 v5, v3;
	_ =	sdelay $0x1  }
0x76: {  	s28 =	simm.s32 $0x8;
	[tilespmem:v4+s29+$0x0] =	vst.idx.msk $0xffff, v3  }
0x77: {  	v4 =	vmov s28;
	v3 =	vld.idx.msk [tilespmem:v2+s30+$0x0], $0xffff  }
0x78: {  	v5 =	vshll.u32 v4, $0x3;
	v4 =	vld.idx.msk [tilespmem:v2+s29+$0x0], $0xffff;
	_ =	sdelay $0x1  }
0x79: {  	s17 =	simm.s32 $0xE;
	s26 =	simm.s32 $0x4;
	v5 =	vor.u32 v0, v5  }
.LBB2_5:
0x7a: {  	s26 =	sadd.s32 $0x4, s26;
	v5 =	vor.u32 v1, v5  }
0x7b: {  	p0 =	slt.u32 s26, $0x13C  }
0x7c: {  	v3 =	vadd.f32 v4, v3;
	_ =	sdelay $0x1  }
0x7d: {  	[tilespmem:v2+s29+$0x0] =	vst.idx.msk $0xffff, v3  }
0x7e: {  	v2 =	vld.idx.msk [tilespmem:v5+s30+$0x0], $0xffff  }
0x7f: {  	s28 =	sadd.s32 $0xFFFFFFFC, s17;
	v3 =	vld.idx.msk [tilespmem:v5+s29+$0x0], $0xffff  }
0x80: {  	v4 =	vmov s28  }
0x81: {  	v4 =	vshll.u32 v4, $0x3  }
0x82: {  	v4 =	vor.u32 v0, v4  }
0x83: {  	v4 =	vor.u32 v1, v4;
	_ =	sdelay $0x1  }
0x84: {  	v2 =	vadd.f32 v3, v2;
	_ =	sdelay $0x1  }
0x85: {  	[tilespmem:v5+s29+$0x0] =	vst.idx.msk $0xffff, v2  }
0x86: {  	v2 =	vld.idx.msk [tilespmem:v4+s30+$0x0], $0xffff  }
0x87: {  	s28 =	sadd.s32 $0xFFFFFFFE, s17;
	v3 =	vld.idx.msk [tilespmem:v4+s29+$0x0], $0xffff  }
0x88: {  	v5 =	vmov s28  }
0x89: {  	v5 =	vshll.u32 v5, $0x3  }
0x8a: {  	v5 =	vor.u32 v0, v5  }
0x8b: {  	v5 =	vor.u32 v1, v5;
	_ =	sdelay $0x1  }
0x8c: {  	v2 =	vadd.f32 v3, v2;
	_ =	sdelay $0x1  }
0x8d: {  	[tilespmem:v4+s29+$0x0] =	vst.idx.msk $0xffff, v2  }
0x8e: {  	v3 =	vld.idx.msk [tilespmem:v5+s30+$0x0], $0xffff  }
0x8f: {  	v4 =	vld.idx.msk [tilespmem:v5+s29+$0x0], $0xffff  }
0x90: {  	v2 =	vmov s17  }
0x91: {  	v2 =	vshll.u32 v2, $0x3  }
0x92: {  	v2 =	vor.u32 v0, v2  }
0x93: {  	v2 =	vor.u32 v1, v2;
	_ =	sdelay $0x1  }
0x94: {  	v3 =	vadd.f32 v4, v3;
	_ =	sdelay $0x1  }
0x95: {  	[tilespmem:v5+s29+$0x0] =	vst.idx.msk $0xffff, v3  }
.Ltmp1:
0x96: {  	s17 =	sadd.s32 $0x8, s17;
	v3 =	vld.idx.msk [tilespmem:v2+s30+$0x0], $0xffff;
	(pc) =	sbr.rel @p0 .LBB2_5-.Ltmp1, $4  }
0x97: {  	s28 =	sadd.s32 $0xFFFFFFFA, s17;
	v4 =	vld.idx.msk [tilespmem:v2+s29+$0x0], $0xffff  }
0x98: {  	v5 =	vmov s28  }
0x99: {  	v5 =	vshll.u32 v5, $0x3  }
0x9a: {  	v5 =	vor.u32 v0, v5  }
0x9b: {  	v5 =	vor.u32 v1, v5;
	_ =	sdelay $0x1  }
0x9c: {  	v3 =	vadd.f32 v4, v3;
	_ =	sdelay $0x1  }
0x9d: {  	[tilespmem:v2+s29+$0x0] =	vst.idx.msk $0xffff, v3  }
0x9e: {  	s26 =	sadd.s32 $0xFFFFFFFC, s17;
	v2 =	vld.idx.msk [tilespmem:v5+s30+$0x0], $0xffff  }
0x9f: {  	v4 =	vmov s26;
	v3 =	vld.idx.msk [tilespmem:v5+s29+$0x0], $0xffff  }
0xa0: {  	v4 =	vshll.u32 v4, $0x3  }
0xa1: {  	v4 =	vor.u32 v0, v4  }
0xa2: {  	v4 =	vor.u32 v1, v4;
	_ =	sdelay $0x1  }
0xa3: {  	v2 =	vadd.f32 v3, v2;
	_ =	sdelay $0x1  }
0xa4: {  	[tilespmem:v5+s29+$0x0] =	vst.idx.msk $0xffff, v2  }
0xa5: {  	s8 =	sadd.s32 $0xFFFFFFFE, s17;
	v2 =	vld.idx.msk [tilespmem:v4+s30+$0x0], $0xffff  }
0xa6: {  	v5 =	vmov s8;
	v3 =	vld.idx.msk [tilespmem:v4+s29+$0x0], $0xffff  }
0xa7: {  	v5 =	vshll.u32 v5, $0x3  }
0xa8: {  	v5 =	vor.u32 v0, v5  }
0xa9: {  	v5 =	vor.u32 v1, v5;
	_ =	sdelay $0x1  }
0xaa: {  	v2 =	vadd.f32 v3, v2;
	_ =	sdelay $0x1  }
0xab: {  	[tilespmem:v4+s29+$0x0] =	vst.idx.msk $0xffff, v2  }
0xac: {  	v2 =	vld.idx.msk [tilespmem:v5+s30+$0x0], $0xffff  }
0xad: {  	v4 =	vmov s17;
	v3 =	vld.idx.msk [tilespmem:v5+s29+$0x0], $0xffff  }
0xae: {  	v4 =	vshll.u32 v4, $0x3  }
0xaf: {  	v4 =	vor.u32 v0, v4  }
0xb0: {  	v4 =	vor.u32 v1, v4;
	_ =	sdelay $0x1  }
0xb1: {  	v2 =	vadd.f32 v3, v2;
	_ =	sdelay $0x1  }
0xb2: {  	[tilespmem:v5+s29+$0x0] =	vst.idx.msk $0xffff, v2  }
0xb3: {  	v2 =	vld.idx.msk [tilespmem:v4+s30+$0x0], $0xffff  }
0xb4: {  	v3 =	vld.idx.msk [tilespmem:v4+s29+$0x0], $0xffff;
	_ =	sdelay $0x1  }
0xb5: {  	s26 =	smul.u32 $0xA0000, s2;
	_ =	sdelay $0x1  }
0xb6: {  	s8 =	simm.s32 $0x0;
	s17 =	sshra.s32 s26, $0x2  }
0xb7: {  	s17 =	sadd.s32 s17, s3;
	v2 =	vadd.f32 v3, v2;
	v3 =	vmov s8  }
0xb8: {  	s17 =	sadd.s32 s6, s17;
	v3 =	vshll.u32 v3, $0x3  }
0xb9: {  	s8 =	sadd.s32 $0x3C000, s17;
	[tilespmem:v4+s29+$0x0] =	vst.idx.msk $0xffff, v2;
	v2 =	vor.u32 v0, v3  }
0xba: {  	[tilespmem:s30], [sflag:$0x5] =	stream.linear.gather [spmem:s8], $0x1400, $0x38;
	v2 =	vor.u32 v1, v2;
	[tilespmem:$0x1D400] =	vst v63  }
0xbb: {  	s8 =	simm.s32 $0x6  }
0xbc: {  	_ =	swait.ge [sflag:s8], $0x1400  }
0xbd: {  	[sflag:s8] =	ssyncset.done $0x0  }
0xbe: {  	[sflag:s8] =	ssyncadd.s32 $0xFFFFEC00  }
0xbf: {  	s28 =	simm.s32 $0x2;
	v3 =	vld.idx.msk [tilespmem:v2+s31+$0x0], $0xffff  }
0xc0: {  	v5 =	vmov s28;
	v4 =	vld.idx.msk [tilespmem:v2+s29+$0x0], $0xffff  }
0xc1: {  	v5 =	vshll.u32 v5, $0x3  }
0xc2: {  	v5 =	vor.u32 v0, v5  }
0xc3: {  	v5 =	vor.u32 v1, v5;
	_ =	sdelay $0x1  }
0xc4: {  	v3 =	vadd.f32 v4, v3;
	_ =	sdelay $0x1  }
0xc5: {  	[tilespmem:v2+s29+$0x0] =	vst.idx.msk $0xffff, v3  }
0xc6: {  	s28 =	simm.s32 $0x4;
	v2 =	vld.idx.msk [tilespmem:v5+s31+$0x0], $0xffff  }
0xc7: {  	v4 =	vmov s28;
	v3 =	vld.idx.msk [tilespmem:v5+s29+$0x0], $0xffff  }
0xc8: {  	v4 =	vshll.u32 v4, $0x3  }
0xc9: {  	v4 =	vor.u32 v0, v4  }
0xca: {  	v4 =	vor.u32 v1, v4;
	_ =	sdelay $0x1  }
0xcb: {  	v2 =	vadd.f32 v3, v2;
	_ =	sdelay $0x1  }
0xcc: {  	[tilespmem:v5+s29+$0x0] =	vst.idx.msk $0xffff, v2  }
0xcd: {  	v3 =	vld.idx.msk [tilespmem:v4+s31+$0x0], $0xffff  }
0xce: {  	v2 =	vmov s8;
	v5 =	vld.idx.msk [tilespmem:v4+s29+$0x0], $0xffff  }
0xcf: {  	v2 =	vshll.u32 v2, $0x3  }
0xd0: {  	v2 =	vor.u32 v0, v2  }
0xd1: {  	v2 =	vor.u32 v1, v2;
	_ =	sdelay $0x1  }
0xd2: {  	v3 =	vadd.f32 v5, v3;
	_ =	sdelay $0x1  }
0xd3: {  	s8 =	simm.s32 $0x8;
	[tilespmem:v4+s29+$0x0] =	vst.idx.msk $0xffff, v3  }
0xd4: {  	v4 =	vmov s8;
	v3 =	vld.idx.msk [tilespmem:v2+s31+$0x0], $0xffff  }
0xd5: {  	v5 =	vshll.u32 v4, $0x3;
	v4 =	vld.idx.msk [tilespmem:v2+s29+$0x0], $0xffff;
	_ =	sdelay $0x1  }
0xd6: {  	s26 =	simm.s32 $0xE;
	s28 =	simm.s32 $0x4;
	v5 =	vor.u32 v0, v5  }
.LBB2_7:
0xd7: {  	s28 =	sadd.s32 $0x4, s28;
	v5 =	vor.u32 v1, v5  }
0xd8: {  	p0 =	slt.u32 s28, $0x13C  }
0xd9: {  	v3 =	vadd.f32 v4, v3;
	_ =	sdelay $0x1  }
0xda: {  	[tilespmem:v2+s29+$0x0] =	vst.idx.msk $0xffff, v3  }
0xdb: {  	v2 =	vld.idx.msk [tilespmem:v5+s31+$0x0], $0xffff  }
0xdc: {  	s8 =	sadd.s32 $0xFFFFFFFC, s26;
	v3 =	vld.idx.msk [tilespmem:v5+s29+$0x0], $0xffff  }
0xdd: {  	v4 =	vmov s8  }
0xde: {  	v4 =	vshll.u32 v4, $0x3  }
0xdf: {  	v4 =	vor.u32 v0, v4  }
0xe0: {  	v4 =	vor.u32 v1, v4;
	_ =	sdelay $0x1  }
0xe1: {  	v2 =	vadd.f32 v3, v2;
	_ =	sdelay $0x1  }
0xe2: {  	[tilespmem:v5+s29+$0x0] =	vst.idx.msk $0xffff, v2  }
0xe3: {  	v2 =	vld.idx.msk [tilespmem:v4+s31+$0x0], $0xffff  }
0xe4: {  	s8 =	sadd.s32 $0xFFFFFFFE, s26;
	v3 =	vld.idx.msk [tilespmem:v4+s29+$0x0], $0xffff  }
0xe5: {  	v5 =	vmov s8  }
0xe6: {  	v5 =	vshll.u32 v5, $0x3  }
0xe7: {  	v5 =	vor.u32 v0, v5  }
0xe8: {  	v5 =	vor.u32 v1, v5;
	_ =	sdelay $0x1  }
0xe9: {  	v2 =	vadd.f32 v3, v2;
	_ =	sdelay $0x1  }
0xea: {  	[tilespmem:v4+s29+$0x0] =	vst.idx.msk $0xffff, v2  }
0xeb: {  	v3 =	vld.idx.msk [tilespmem:v5+s31+$0x0], $0xffff  }
0xec: {  	v4 =	vld.idx.msk [tilespmem:v5+s29+$0x0], $0xffff  }
0xed: {  	v2 =	vmov s26  }
0xee: {  	v2 =	vshll.u32 v2, $0x3  }
0xef: {  	v2 =	vor.u32 v0, v2  }
0xf0: {  	v2 =	vor.u32 v1, v2;
	_ =	sdelay $0x1  }
0xf1: {  	v3 =	vadd.f32 v4, v3;
	_ =	sdelay $0x1  }
0xf2: {  	[tilespmem:v5+s29+$0x0] =	vst.idx.msk $0xffff, v3  }
.Ltmp2:
0xf3: {  	s26 =	sadd.s32 $0x8, s26;
	v3 =	vld.idx.msk [tilespmem:v2+s31+$0x0], $0xffff;
	(pc) =	sbr.rel @p0 .LBB2_7-.Ltmp2, $4  }
0xf4: {  	s8 =	sadd.s32 $0xFFFFFFFA, s26;
	v4 =	vld.idx.msk [tilespmem:v2+s29+$0x0], $0xffff  }
0xf5: {  	v5 =	vmov s8  }
0xf6: {  	v5 =	vshll.u32 v5, $0x3  }
0xf7: {  	v5 =	vor.u32 v0, v5  }
0xf8: {  	v5 =	vor.u32 v1, v5;
	_ =	sdelay $0x1  }
0xf9: {  	v3 =	vadd.f32 v4, v3;
	_ =	sdelay $0x1  }
0xfa: {  	[tilespmem:v2+s29+$0x0] =	vst.idx.msk $0xffff, v3  }
0xfb: {  	s8 =	sadd.s32 $0xFFFFFFFC, s26;
	v2 =	vld.idx.msk [tilespmem:v5+s31+$0x0], $0xffff  }
0xfc: {  	v61 =	vmov s8;
	v3 =	vld.idx.msk [tilespmem:v5+s29+$0x0], $0xffff  }
0xfd: {  	v4 =	vshll.u32 v61, $0x3  }
0xfe: {  	v4 =	vor.u32 v0, v4  }
0xff: {  	v4 =	vor.u32 v1, v4;
	_ =	sdelay $0x1  }
0x100: {  	v2 =	vadd.f32 v3, v2;
	_ =	sdelay $0x1  }
0x101: {  	[tilespmem:v5+s29+$0x0] =	vst.idx.msk $0xffff, v2  }
0x102: {  	s28 =	sadd.s32 $0xFFFFFFFE, s26;
	v2 =	vld.idx.msk [tilespmem:v4+s31+$0x0], $0xffff  }
0x103: {  	v62 =	vmov s28;
	v3 =	vld.idx.msk [tilespmem:v4+s29+$0x0], $0xffff  }
0x104: {  	v5 =	vshll.u32 v62, $0x3  }
0x105: {  	v5 =	vor.u32 v0, v5  }
0x106: {  	v5 =	vor.u32 v1, v5;
	_ =	sdelay $0x1  }
0x107: {  	v2 =	vadd.f32 v3, v2;
	_ =	sdelay $0x1  }
0x108: {  	[tilespmem:v4+s29+$0x0] =	vst.idx.msk $0xffff, v2  }
0x109: {  	v2 =	vld.idx.msk [tilespmem:v5+s31+$0x0], $0xffff  }
0x10a: {  	v63 =	vmov s26;
	v3 =	vld.idx.msk [tilespmem:v5+s29+$0x0], $0xffff  }
0x10b: {  	v4 =	vshll.u32 v63, $0x3  }
0x10c: {  	v4 =	vor.u32 v0, v4  }
0x10d: {  	v4 =	vor.u32 v1, v4;
	_ =	sdelay $0x1  }
0x10e: {  	v2 =	vadd.f32 v3, v2;
	_ =	sdelay $0x1  }
0x10f: {  	[tilespmem:v5+s29+$0x0] =	vst.idx.msk $0xffff, v2  }
0x110: {  	v2 =	vld.idx.msk [tilespmem:v4+s31+$0x0], $0xffff  }
0x111: {  	v3 =	vld.idx.msk [tilespmem:v4+s29+$0x0], $0xffff;
	_ =	sdelay $0x1  }
0x112: {  	p0 =	seq.s32 s2, $0x6  }
.Ltmp3:
0x113: {  	_ = 	snop;
	(pc) =	sbr.rel @p0 .LBB2_10-.Ltmp3, $3  }
0x114: {  	_ = 	snop  }
0x115: {  	v2 =	vadd.f32 v3, v2;
	_ =	sdelay $0x1  }
0x116: {  	[tilespmem:v4+s29+$0x0] =	vst.idx.msk $0xffff, v2  }
.Ltmp4:
0x117: {  	(pc) =	sbr.rel .LBB2_4-.Ltmp4, $3  }
0x118: {  	_ =	sdelay $0x1  }
0x119: {  	s8 =	sadd.s32 $0x50000, s17;
	s2 =	sadd.s32 $0x1, s2  }
0x11a: {  	[tilespmem:s31], [sflag:$0x6] =	stream.linear.gather [spmem:s8], $0x1400, $0x38;
	[tilespmem:$0x1D400] =	vst v63  }
.LBB2_10:
0x11b: {  	s2 =	simm.s32 $0x0  }
0x11c: {  	v2 =	vmov s2  }
0x11d: {  	v2 =	vshll.u32 v2, $0x3  }
0x11e: {  	v2 =	vor.u32 v0, v2  }
0x11f: {  	v2 =	vor.u32 v1, v2;
	_ =	sdelay $0x1  }
0x120: {  	_ =	swait.ge [sflag:s0], $0x1400  }
0x121: {  	[sflag:s0] =	ssyncset.done $0x0  }
0x122: {  	[sflag:s0] =	ssyncadd.s32 $0xFFFFEC00  }
0x123: {  	s8 =	simm.s32 $0x2;
	v3 =	vld.idx.msk [tilespmem:v2+s30+$0x0], $0xffff  }
0x124: {  	v5 =	vmov s8;
	v4 =	vld.idx.msk [tilespmem:v2+s29+$0x0], $0xffff  }
0x125: {  	v5 =	vshll.u32 v5, $0x3  }
0x126: {  	v5 =	vor.u32 v0, v5  }
0x127: {  	v5 =	vor.u32 v1, v5;
	_ =	sdelay $0x1  }
0x128: {  	v3 =	vadd.f32 v4, v3;
	_ =	sdelay $0x1  }
0x129: {  	[tilespmem:v2+s29+$0x0] =	vst.idx.msk $0xffff, v3  }
0x12a: {  	s17 =	simm.s32 $0x4;
	v2 =	vld.idx.msk [tilespmem:v5+s30+$0x0], $0xffff  }
0x12b: {  	v4 =	vmov s17;
	v3 =	vld.idx.msk [tilespmem:v5+s29+$0x0], $0xffff  }
0x12c: {  	v4 =	vshll.u32 v4, $0x3  }
0x12d: {  	v4 =	vor.u32 v0, v4  }
0x12e: {  	v4 =	vor.u32 v1, v4;
	_ =	sdelay $0x1  }
0x12f: {  	v2 =	vadd.f32 v3, v2;
	_ =	sdelay $0x1  }
0x130: {  	[tilespmem:v5+s29+$0x0] =	vst.idx.msk $0xffff, v2  }
0x131: {  	s26 =	simm.s32 $0x6;
	v3 =	vld.idx.msk [tilespmem:v4+s30+$0x0], $0xffff  }
0x132: {  	v2 =	vmov s26;
	v5 =	vld.idx.msk [tilespmem:v4+s29+$0x0], $0xffff  }
0x133: {  	v2 =	vshll.u32 v2, $0x3  }
0x134: {  	v2 =	vor.u32 v0, v2  }
0x135: {  	v2 =	vor.u32 v1, v2;
	_ =	sdelay $0x1  }
0x136: {  	v3 =	vadd.f32 v5, v3;
	_ =	sdelay $0x1  }
0x137: {  	s28 =	simm.s32 $0x8;
	[tilespmem:v4+s29+$0x0] =	vst.idx.msk $0xffff, v3  }
0x138: {  	v4 =	vmov s28;
	v3 =	vld.idx.msk [tilespmem:v2+s30+$0x0], $0xffff  }
0x139: {  	v5 =	vshll.u32 v4, $0x3;
	v4 =	vld.idx.msk [tilespmem:v2+s29+$0x0], $0xffff;
	_ =	sdelay $0x1  }
0x13a: {  	s2 =	simm.s32 $0xE;
	s17 =	simm.s32 $0x4;
	v5 =	vor.u32 v0, v5  }
.LBB2_11:
0x13b: {  	s17 =	sadd.s32 $0x4, s17;
	v5 =	vor.u32 v1, v5  }
0x13c: {  	p0 =	slt.u32 s17, $0x13C  }
0x13d: {  	v3 =	vadd.f32 v4, v3;
	_ =	sdelay $0x1  }
0x13e: {  	[tilespmem:v2+s29+$0x0] =	vst.idx.msk $0xffff, v3  }
0x13f: {  	v2 =	vld.idx.msk [tilespmem:v5+s30+$0x0], $0xffff  }
0x140: {  	s8 =	sadd.s32 $0xFFFFFFFC, s2;
	v3 =	vld.idx.msk [tilespmem:v5+s29+$0x0], $0xffff  }
0x141: {  	v4 =	vmov s8  }
0x142: {  	v4 =	vshll.u32 v4, $0x3  }
0x143: {  	v4 =	vor.u32 v0, v4  }
0x144: {  	v4 =	vor.u32 v1, v4;
	_ =	sdelay $0x1  }
0x145: {  	v2 =	vadd.f32 v3, v2;
	_ =	sdelay $0x1  }
0x146: {  	[tilespmem:v5+s29+$0x0] =	vst.idx.msk $0xffff, v2  }
0x147: {  	v2 =	vld.idx.msk [tilespmem:v4+s30+$0x0], $0xffff  }
0x148: {  	s8 =	sadd.s32 $0xFFFFFFFE, s2;
	v3 =	vld.idx.msk [tilespmem:v4+s29+$0x0], $0xffff  }
0x149: {  	v5 =	vmov s8  }
0x14a: {  	v5 =	vshll.u32 v5, $0x3  }
0x14b: {  	v5 =	vor.u32 v0, v5  }
0x14c: {  	v5 =	vor.u32 v1, v5;
	_ =	sdelay $0x1  }
0x14d: {  	v2 =	vadd.f32 v3, v2;
	_ =	sdelay $0x1  }
0x14e: {  	[tilespmem:v4+s29+$0x0] =	vst.idx.msk $0xffff, v2  }
0x14f: {  	v3 =	vld.idx.msk [tilespmem:v5+s30+$0x0], $0xffff  }
0x150: {  	v4 =	vld.idx.msk [tilespmem:v5+s29+$0x0], $0xffff  }
0x151: {  	v2 =	vmov s2  }
0x152: {  	v2 =	vshll.u32 v2, $0x3  }
0x153: {  	v2 =	vor.u32 v0, v2  }
0x154: {  	v2 =	vor.u32 v1, v2;
	_ =	sdelay $0x1  }
0x155: {  	v3 =	vadd.f32 v4, v3;
	_ =	sdelay $0x1  }
0x156: {  	[tilespmem:v5+s29+$0x0] =	vst.idx.msk $0xffff, v3  }
.Ltmp5:
0x157: {  	s2 =	sadd.s32 $0x8, s2;
	v3 =	vld.idx.msk [tilespmem:v2+s30+$0x0], $0xffff;
	(pc) =	sbr.rel @p0 .LBB2_11-.Ltmp5, $4  }
0x158: {  	s8 =	sadd.s32 $0xFFFFFFFA, s2;
	v4 =	vld.idx.msk [tilespmem:v2+s29+$0x0], $0xffff  }
0x159: {  	v5 =	vmov s8  }
0x15a: {  	v5 =	vshll.u32 v5, $0x3  }
0x15b: {  	v5 =	vor.u32 v0, v5  }
0x15c: {  	v5 =	vor.u32 v1, v5;
	_ =	sdelay $0x1  }
0x15d: {  	v3 =	vadd.f32 v4, v3;
	_ =	sdelay $0x1  }
0x15e: {  	[tilespmem:v2+s29+$0x0] =	vst.idx.msk $0xffff, v3  }
0x15f: {  	s8 =	sadd.s32 $0xFFFFFFFC, s2;
	v2 =	vld.idx.msk [tilespmem:v5+s30+$0x0], $0xffff  }
0x160: {  	v61 =	vmov s8;
	v3 =	vld.idx.msk [tilespmem:v5+s29+$0x0], $0xffff  }
0x161: {  	v4 =	vshll.u32 v61, $0x3  }
0x162: {  	v4 =	vor.u32 v0, v4  }
0x163: {  	v4 =	vor.u32 v1, v4;
	_ =	sdelay $0x1  }
0x164: {  	v2 =	vadd.f32 v3, v2;
	_ =	sdelay $0x1  }
0x165: {  	[tilespmem:v5+s29+$0x0] =	vst.idx.msk $0xffff, v2  }
0x166: {  	s28 =	sadd.s32 $0xFFFFFFFE, s2;
	v2 =	vld.idx.msk [tilespmem:v4+s30+$0x0], $0xffff  }
0x167: {  	v62 =	vmov s28;
	v3 =	vld.idx.msk [tilespmem:v4+s29+$0x0], $0xffff  }
0x168: {  	v5 =	vshll.u32 v62, $0x3  }
0x169: {  	v5 =	vor.u32 v0, v5  }
0x16a: {  	v5 =	vor.u32 v1, v5;
	_ =	sdelay $0x1  }
0x16b: {  	v2 =	vadd.f32 v3, v2;
	_ =	sdelay $0x1  }
0x16c: {  	[tilespmem:v4+s29+$0x0] =	vst.idx.msk $0xffff, v2  }
0x16d: {  	v2 =	vld.idx.msk [tilespmem:v5+s30+$0x0], $0xffff  }
0x16e: {  	v63 =	vmov s2;
	v3 =	vld.idx.msk [tilespmem:v5+s29+$0x0], $0xffff  }
0x16f: {  	v4 =	vshll.u32 v63, $0x3  }
0x170: {  	v4 =	vor.u32 v0, v4  }
0x171: {  	v4 =	vor.u32 v1, v4;
	_ =	sdelay $0x1  }
0x172: {  	v2 =	vadd.f32 v3, v2;
	_ =	sdelay $0x1  }
0x173: {  	[tilespmem:v5+s29+$0x0] =	vst.idx.msk $0xffff, v2  }
0x174: {  	v2 =	vld.idx.msk [tilespmem:v4+s30+$0x0], $0xffff  }
0x175: {  	v3 =	vld.idx.msk [tilespmem:v4+s29+$0x0], $0xffff;
	_ =	sdelay $0x4  }
0x176: {  	s1 =	sadd.s32 $0x1, s1;
	v2 =	vadd.f32 v3, v2  }
0x177: {  	p0 =	sne.s32 s1, s14  }
.Ltmp6:
0x178: {  	[tilespmem:v4+s29+$0x0] =	vst.idx.msk $0xffff, v2;
	(pc) =	sbr.rel @p0 .LBB2_1-.Ltmp6, $4  }
0x179: {  	[hbm4b:s24+s4] =	stream.linear.scatter [tilespmem:s29], [sflag:$0x7], $0x1400, $0x38;
	[tilespmem:$0x1D400] =	vst v63  }
0x17a: {  	_ =	swait.ge [sflag:s23], $0x1400  }
0x17b: {  	[sflag:s23] =	ssyncset.done $0x0  }
0x17c: {  	[sflag:s23] =	ssyncadd.s32 $0xFFFFEC00  }
0x17d: {  	_ =	sfence.sel $0x180000  }
0x17e: {  	[bflag:$0x0] =	sbarrier.arrive $0xFFFF  }
0x17f: {  	_ =	strace $0x90000047  }
0x180: {  	s0 =	stileid.u32;
	[bflag:$0x2] =	sbarrier.arrive $0xFFFF  }
0x181: {  	p0 =	sne.s32 s0, $0x0;
	s0 =	rddreg [dreg:$0x3]  }
0x182: {  	s0 =	sadd.s32 @!p0 $0x100000, s0  }
0x183: {  	[sflag:s0] =	ssyncadd.tile.s32 @!p0 $0x1;
	_ =	shalt  }
.Lfunc_end2:
_tile_overlayer_lowered:
.L_overlay_start_2:
0x184: {  	(tag) =	ssettag $0x2  }
0x185: {  	s0 =	rddreg [dreg:$0x0];
	s2 =	stileid.u32  }
0x186: {  	s1 =	rddreg [dreg:$0x1];
	p0 =	sne.s32 s2, $0x0  }
0x187: {  	s3 =	rddreg [dreg:$0x2];
	[bflag:$0x3] =	sbarrier.arrive $0xFFFF;
	s2 =	simm.s32 @!p0 $0x1C07  }
0x188: {  	[timem:s3], [sflag:s2] =	dma.local @!p0 [hbm:s0], s1  }
0x189: {  	s0 =	simm.s32 @!p0 $0x7  }
0x18a: {  	_ =	swait.ge @!p0 [sflag:s0], s1  }
0x18b: {  	s1 =	ssub.s32 @!p0 $0x0, s1;
	[sflag:s0] =	ssyncset.done @!p0 $0x0  }
0x18c: {  	[sflag:s0] =	ssyncadd.s32 @!p0 s1  }
0x18d: {  	[bflag:$0x3] =	sbarrier.arrive $0xFFFF  }
0x18e: {  	_ =	shalt  }

</sc_bundles>
